<compile_context>
chip_gen: v7x
topology: tpu7x:2x2x1
jax: 0.10.2.dev20260603
libtpu: 0.0.44.dev20260713+nightly
codegen_flags: <defaults>
</compile_context>

<pallas_src>
import functools

import jax
import jax.numpy as jnp
from jax import lax
from jax.experimental import pallas as pl
from jax.experimental.pallas import tpu as pltpu
from jax.experimental.pallas import tpu_sc as plsc

NC = 2
NS = 16
NW = NC * NS
LW = 16
K = 128
DW = 128
BR = 1024

def _mesh():
    return plsc.VectorSubcoreMesh(core_axis_name="c", subcore_axis_name="s",
                                  num_cores=NC, num_subcores=NS)


def _make_deg_kernel(npad, nb):
    rt = npad // NS

    @functools.partial(
        pl.kernel,
        out_type=jax.ShapeDtypeStruct((NC, npad, DW), jnp.float32),
        mesh=_mesh(),
        scratch_types=[
            pltpu.VMEM((nb, K), jnp.int32),
            pltpu.VMEM((K, DW), jnp.float32),
            pltpu.VMEM_SHARED((npad, DW), jnp.float32),
            pltpu.SemaphoreType.DMA,
        ],
    )
    def deg_kernel(dst_hbm, out_hbm, dst_v, ones_v, hist_sh, dsem):
        c = lax.axis_index("c")
        s = lax.axis_index("s")
        wid = c * NS + s
        pltpu.sync_copy(dst_hbm.at[wid], dst_v)

        def _zrow(i, carry):
            for k in range(DW // LW):
                ones_v[i, pl.ds(k * LW, LW)] = jnp.zeros((LW,), jnp.float32)
            return carry

        lax.fori_loop(0, K, _zrow, 0)
        for r in range(rt // K):
            pltpu.sync_copy(ones_v, hist_sh.at[pl.ds(s * rt + r * K, K)])

        def _orow(i, carry):
            for k in range(DW // LW):
                ones_v[i, pl.ds(k * LW, LW)] = jnp.ones((LW,), jnp.float32)
            return carry

        lax.fori_loop(0, K, _orow, 0)
        plsc.subcore_barrier()

        def _blk(j, carry):
            pltpu.async_copy(ones_v, hist_sh.at[dst_v.at[j]], dsem, add=True)
            return carry

        lax.fori_loop(0, nb, _blk, 0)

        def _drain(j, carry):
            pltpu.make_async_copy(ones_v, hist_sh.at[dst_v.at[j]],
                                  dsem).wait()
            return carry

        lax.fori_loop(0, nb, _drain, 0)
        plsc.subcore_barrier()
        pltpu.sync_copy(hist_sh.at[pl.ds(s * rt, rt)],
                        out_hbm.at[c, pl.ds(s * rt, rt)])

    return deg_kernel


CH = 40


def _make_scatter_kernel(npad, nb, d):
    rt = npad // NS

    @functools.partial(
        pl.kernel,
        out_type=jax.ShapeDtypeStruct((NC, npad, d), jnp.float32),
        mesh=_mesh(),
        scratch_types=[
            pltpu.VMEM((CH, K), jnp.int32),
            pltpu.VMEM((CH, K), jnp.int32),
            pltpu.VMEM((K, d), jnp.float32),
            pltpu.VMEM((K, d), jnp.float32),
            pltpu.VMEM_SHARED((npad, d), jnp.float32),
            pltpu.SemaphoreType.DMA,
            pltpu.SemaphoreType.DMA,
        ],
    )
    def scatter_kernel(g_hbm, src_hbm, dst_hbm, out_hbm,
                       src_ib, dst_ib, gb0, gb1, acc_sh, sem0, sem1):
        c = lax.axis_index("c")
        s = lax.axis_index("s")
        wid = c * NS + s

        def _zrow(i, carry):
            for k in range(d // LW):
                gb0[i, pl.ds(k * LW, LW)] = jnp.zeros((LW,), jnp.float32)
            return carry

        lax.fori_loop(0, K, _zrow, 0)
        for r in range(rt // K):
            pltpu.sync_copy(gb0, acc_sh.at[pl.ds(s * rt + r * K, K)])
        plsc.subcore_barrier()

        def _chunk(cidx, carry):
            pltpu.sync_copy(src_hbm.at[wid, pl.ds(cidx * CH, CH)], src_ib)
            pltpu.sync_copy(dst_hbm.at[wid, pl.ds(cidx * CH, CH)], dst_ib)
            pltpu.async_copy(g_hbm.at[src_ib.at[0]], gb0, sem0)

            def _step(it, inner):
                j0 = it * 2
                j1 = j0 + 1
                j2 = j0 + 2
                pltpu.make_async_copy(g_hbm.at[src_ib.at[j0]], gb0, sem0).wait()
                pltpu.async_copy(g_hbm.at[src_ib.at[j1]], gb1, sem1)
                pltpu.sync_copy(gb0, acc_sh.at[dst_ib.at[j0]], add=True)
                pltpu.make_async_copy(g_hbm.at[src_ib.at[j1]], gb1, sem1).wait()

                @pl.when(j2 < CH)
                def _():
                    pltpu.async_copy(g_hbm.at[src_ib.at[j2]], gb0, sem0)

                pltpu.sync_copy(gb1, acc_sh.at[dst_ib.at[j1]], add=True)
                return inner

            lax.fori_loop(0, CH // 2, _step, 0)
            return carry

        lax.fori_loop(0, nb // CH, _chunk, 0)
        plsc.subcore_barrier()
        pltpu.sync_copy(acc_sh.at[pl.ds(s * rt, rt)],
                        out_hbm.at[c, pl.ds(s * rt, rt)])

    return scatter_kernel


def _mm_body(deg_ref, x_ref, w_ref, g_ref, dis_ref):
    dd = deg_ref[...]
    deg = dd[0, :, 0:1] + dd[1, :, 0:1] + 1.0
    dis = lax.rsqrt(deg)
    h = jnp.dot(x_ref[...], w_ref[...], preferred_element_type=jnp.float32)
    g_ref[...] = h * dis
    dis_ref[...] = dis


def _out_body(acc_ref, g_ref, dis_ref, b_ref, a_ref, o_ref):
    aa = acc_ref[...]
    t = (aa[0] + aa[1] + g_ref[...]) * dis_ref[...] + b_ref[...]
    o_ref[...] = jnp.where(t >= 0.0, t, a_ref[...] * t)


def kernel(x, edge_index, W, b, alpha):
    n, d_in = x.shape
    d = W.shape[1]
    e = edge_index.shape[1]

    npad = ((n + 2048) // 2048) * 2048
    nb = -(-e // (NW * K))
    nb = ((nb + CH - 1) // CH) * CH
    epad = NW * nb * K

    pad = n + jnp.arange(epad - e, dtype=edge_index.dtype) % (npad - n)
    srcp = jnp.concatenate([edge_index[0], pad]).reshape(NW, nb, K)
    dstp = jnp.concatenate([edge_index[1], pad]).reshape(NW, nb, K)

    degp = _make_deg_kernel(npad, nb)(dstp)

    if n % 80 == 0:
        bn, xin, rows = n // 10, x, n
    else:
        bn, rows = BR, npad
        xin = jnp.zeros((npad, d_in), x.dtype).at[:n].set(x)
    nblocks = rows // bn

    g, dis = pl.pallas_call(
        _mm_body,
        grid=(nblocks,),
        in_specs=[
            pl.BlockSpec((NC, bn, DW), lambda i: (0, i, 0)),
            pl.BlockSpec((bn, d_in), lambda i: (i, 0)),
            pl.BlockSpec((d_in, d), lambda i: (0, 0)),
        ],
        out_specs=[
            pl.BlockSpec((bn, d), lambda i: (i, 0)),
            pl.BlockSpec((bn, 1), lambda i: (i, 0)),
        ],
        out_shape=[
            jax.ShapeDtypeStruct((npad, d), jnp.float32),
            jax.ShapeDtypeStruct((npad, 1), jnp.float32),
        ],
    )(degp, xin, W)

    accp = _make_scatter_kernel(npad, nb, d)(g, srcp, dstp)

    out = pl.pallas_call(
        _out_body,
        grid=(nblocks,),
        in_specs=[
            pl.BlockSpec((NC, bn, d), lambda i: (0, i, 0)),
            pl.BlockSpec((bn, d), lambda i: (i, 0)),
            pl.BlockSpec((bn, 1), lambda i: (i, 0)),
            pl.BlockSpec((1, d), lambda i: (0, 0)),
            pl.BlockSpec((1, 1), lambda i: (0, 0)),
        ],
        out_specs=pl.BlockSpec((bn, d), lambda i: (i, 0)),
        out_shape=jax.ShapeDtypeStruct((rows, d), jnp.float32),
    )(accp, g, dis, b.reshape(1, d), alpha.reshape(1, 1))

    return out[:n]

# --- scband reference (transcript-rebuilt; emitter-appended) ---
"""Pipeline reference for scband-gnnplus-act-11081015623988 (READ-ONLY COPY).

The authoritative reference and input builder live on the scoring server;
editing this copy changes nothing except your own understanding.
"""

import jax, jax.numpy as jnp
import numpy as np

N = 10000
E = 320000
D_IN = 128
D_OUT = 128


def setup_inputs(seed: int = 0) -> dict:
    key = jax.random.key(seed)
    k1, k2, k3 = jax.random.split(key, 3)
    x = jax.random.normal(k1, (N, D_IN), dtype=jnp.float32)
    edge_index = jax.random.randint(k2, (2, E), 0, N, dtype=jnp.int32)
    # GCNConv params: linear weight (glorot-ish) + bias, PReLU alpha
    W = jax.random.normal(k3, (D_IN, D_OUT), dtype=jnp.float32) * (1.0 / np.sqrt(D_IN))
    b = jnp.zeros((D_OUT,), dtype=jnp.float32)
    alpha = jnp.full((1,), 0.25, dtype=jnp.float32)
    return {"x": x, "edge_index": edge_index, "W": W, "b": b, "alpha": alpha}


def reference(x, edge_index, W, b, alpha):
    n = x.shape[0]
    loop = jnp.arange(n, dtype=edge_index.dtype)
    src = jnp.concatenate([edge_index[0], loop])
    dst = jnp.concatenate([edge_index[1], loop])
    # symmetric normalization D^{-1/2} (A+I) D^{-1/2}
    deg = jax.ops.segment_sum(jnp.ones_like(src, dtype=x.dtype), dst, num_segments=n)
    deg_inv_sqrt = jnp.where(deg > 0, 1.0 / jnp.sqrt(deg), 0.0)
    norm = deg_inv_sqrt[src] * deg_inv_sqrt[dst]
    h = x @ W
    msg = h[src] * norm[:, None]
    out = jax.ops.segment_sum(msg, dst, num_segments=n) + b
    # PReLU
    return jnp.where(out >= 0, out, alpha * out)

if __name__ == "__main__":
    import jax
    _d = setup_inputs()
    print(jax.jit(kernel)(*tuple(_d.values())))

</pallas_src>

<mosaic_0001>
#map = affine_map<(d0, d1) -> (0, 0)>
#map1 = affine_map<(d0, d1) -> (0, 0, 0)>
module attributes {stable_mosaic.version = 14 : i64} {
  func.func @scatter_kernel(%arg0: i32, %arg1: i32, %arg2: memref<10240x128xf32, #tpu.memory_space<hbm>>, %arg3: memref<32x80x128xi32, #tpu.memory_space<hbm>>, %arg4: memref<32x80x128xi32, #tpu.memory_space<hbm>>, %arg5: memref<2x10240x128xf32, #tpu.memory_space<hbm>>, %arg6: memref<40x128xi32, #tpu.memory_space<vmem>>, %arg7: memref<40x128xi32, #tpu.memory_space<vmem>>, %arg8: memref<128x128xf32, #tpu.memory_space<vmem>>, %arg9: memref<128x128xf32, #tpu.memory_space<vmem>>, %arg10: memref<10240x128xf32, #tpu.memory_space<vmem_shared>>, %arg11: memref<!tpu.dma_semaphore, #tpu.memory_space<semaphore_mem>>, %arg12: memref<!tpu.dma_semaphore, #tpu.memory_space<semaphore_mem>>) attributes {dimension_semantics = [#tpu.dimension_semantics<core_parallel>, #tpu.dimension_semantics<subcore_parallel>], iteration_bounds = array<i64: 2, 16>, scalar_prefetch = 0 : i64, scratch_operands = 7 : i64, tpu.core_type = #tpu.core_type<sc_vector_subcore>, window_params = [{transform_indices = #map}, {transform_indices = #map1}, {transform_indices = #map1}, {transform_indices = #map1}]} {
    %mul3A = arith.constant 16 : i32
    %mul3A_0 = arith.muli %arg0, %mul3A : i32
    %add3A = arith.addi %mul3A_0, %arg1 : i32
    %scan3A = arith.constant 0 : i32
    %scan3A_1 = arith.constant 0 : i32
    %scan3A_2 = arith.constant 128 : i32
    %scan3A_3 = arith.addi %scan3A_1, %scan3A_2 : i32
    %scan3A_4 = arith.constant 1 : i32
    scf.for %scan3A_37 = %scan3A_1 to %scan3A_3 step %scan3A_4  : i32 {
      %broadcast_in_dim3A = arith.constant 0.000000e+00 : f32
      %broadcast_in_dim3A_38 = vector.broadcast %broadcast_in_dim3A : f32 to vector<16xf32>
      %swap3A = arith.index_cast %scan3A_37 : i32 to index
      %swap3A_39 = arith.constant 0 : index
      %swap3A_40 = tpu.vector_load %arg8[%swap3A, %swap3A_39] {strides = array<i32>} : memref<128x128xf32, #tpu.memory_space<vmem>>, vector<1x16xf32>,
      %swap3A_41 = vector.shape_cast %swap3A_40 : vector<1x16xf32> to vector<16xf32>
      %swap3A_42 = vector.shape_cast %broadcast_in_dim3A_38 : vector<16xf32> to vector<1x16xf32>
      tpu.vector_store %arg8[%swap3A, %swap3A_39], %swap3A_42 {strides = array<i32>} : memref<128x128xf32, #tpu.memory_space<vmem>>, vector<1x16xf32>,
      %broadcast_in_dim3A_43 = arith.constant 0.000000e+00 : f32
      %broadcast_in_dim3A_44 = vector.broadcast %broadcast_in_dim3A_43 : f32 to vector<16xf32>
      %swap3A_45 = arith.index_cast %scan3A_37 : i32 to index
      %swap3A_46 = arith.constant 16 : index
      %swap3A_47 = tpu.vector_load %arg8[%swap3A_45, %swap3A_46] {strides = array<i32>} : memref<128x128xf32, #tpu.memory_space<vmem>>, vector<1x16xf32>,
      %swap3A_48 = vector.shape_cast %swap3A_47 : vector<1x16xf32> to vector<16xf32>
      %swap3A_49 = vector.shape_cast %broadcast_in_dim3A_44 : vector<16xf32> to vector<1x16xf32>
      tpu.vector_store %arg8[%swap3A_45, %swap3A_46], %swap3A_49 {strides = array<i32>} : memref<128x128xf32, #tpu.memory_space<vmem>>, vector<1x16xf32>,
      %broadcast_in_dim3A_50 = arith.constant 0.000000e+00 : f32
      %broadcast_in_dim3A_51 = vector.broadcast %broadcast_in_dim3A_50 : f32 to vector<16xf32>
      %swap3A_52 = arith.index_cast %scan3A_37 : i32 to index
      %swap3A_53 = arith.constant 32 : index
      %swap3A_54 = tpu.vector_load %arg8[%swap3A_52, %swap3A_53] {strides = array<i32>} : memref<128x128xf32, #tpu.memory_space<vmem>>, vector<1x16xf32>,
      %swap3A_55 = vector.shape_cast %swap3A_54 : vector<1x16xf32> to vector<16xf32>
      %swap3A_56 = vector.shape_cast %broadcast_in_dim3A_51 : vector<16xf32> to vector<1x16xf32>
      tpu.vector_store %arg8[%swap3A_52, %swap3A_53], %swap3A_56 {strides = array<i32>} : memref<128x128xf32, #tpu.memory_space<vmem>>, vector<1x16xf32>,
      %broadcast_in_dim3A_57 = arith.constant 0.000000e+00 : f32
      %broadcast_in_dim3A_58 = vector.broadcast %broadcast_in_dim3A_57 : f32 to vector<16xf32>
      %swap3A_59 = arith.index_cast %scan3A_37 : i32 to index
      %swap3A_60 = arith.constant 48 : index
      %swap3A_61 = tpu.vector_load %arg8[%swap3A_59, %swap3A_60] {strides = array<i32>} : memref<128x128xf32, #tpu.memory_space<vmem>>, vector<1x16xf32>,
      %swap3A_62 = vector.shape_cast %swap3A_61 : vector<1x16xf32> to vector<16xf32>
      %swap3A_63 = vector.shape_cast %broadcast_in_dim3A_58 : vector<16xf32> to vector<1x16xf32>
      tpu.vector_store %arg8[%swap3A_59, %swap3A_60], %swap3A_63 {strides = array<i32>} : memref<128x128xf32, #tpu.memory_space<vmem>>, vector<1x16xf32>,
      %broadcast_in_dim3A_64 = arith.constant 0.000000e+00 : f32
      %broadcast_in_dim3A_65 = vector.broadcast %broadcast_in_dim3A_64 : f32 to vector<16xf32>
      %swap3A_66 = arith.index_cast %scan3A_37 : i32 to index
      %swap3A_67 = arith.constant 64 : index
      %swap3A_68 = tpu.vector_load %arg8[%swap3A_66, %swap3A_67] {strides = array<i32>} : memref<128x128xf32, #tpu.memory_space<vmem>>, vector<1x16xf32>,
      %swap3A_69 = vector.shape_cast %swap3A_68 : vector<1x16xf32> to vector<16xf32>
      %swap3A_70 = vector.shape_cast %broadcast_in_dim3A_65 : vector<16xf32> to vector<1x16xf32>
      tpu.vector_store %arg8[%swap3A_66, %swap3A_67], %swap3A_70 {strides = array<i32>} : memref<128x128xf32, #tpu.memory_space<vmem>>, vector<1x16xf32>,
      %broadcast_in_dim3A_71 = arith.constant 0.000000e+00 : f32
      %broadcast_in_dim3A_72 = vector.broadcast %broadcast_in_dim3A_71 : f32 to vector<16xf32>
      %swap3A_73 = arith.index_cast %scan3A_37 : i32 to index
      %swap3A_74 = arith.constant 80 : index
      %swap3A_75 = tpu.vector_load %arg8[%swap3A_73, %swap3A_74] {strides = array<i32>} : memref<128x128xf32, #tpu.memory_space<vmem>>, vector<1x16xf32>,
      %swap3A_76 = vector.shape_cast %swap3A_75 : vector<1x16xf32> to vector<16xf32>
      %swap3A_77 = vector.shape_cast %broadcast_in_dim3A_72 : vector<16xf32> to vector<1x16xf32>
      tpu.vector_store %arg8[%swap3A_73, %swap3A_74], %swap3A_77 {strides = array<i32>} : memref<128x128xf32, #tpu.memory_space<vmem>>, vector<1x16xf32>,
      %broadcast_in_dim3A_78 = arith.constant 0.000000e+00 : f32
      %broadcast_in_dim3A_79 = vector.broadcast %broadcast_in_dim3A_78 : f32 to vector<16xf32>
      %swap3A_80 = arith.index_cast %scan3A_37 : i32 to index
      %swap3A_81 = arith.constant 96 : index
      %swap3A_82 = tpu.vector_load %arg8[%swap3A_80, %swap3A_81] {strides = array<i32>} : memref<128x128xf32, #tpu.memory_space<vmem>>, vector<1x16xf32>,
      %swap3A_83 = vector.shape_cast %swap3A_82 : vector<1x16xf32> to vector<16xf32>
      %swap3A_84 = vector.shape_cast %broadcast_in_dim3A_79 : vector<16xf32> to vector<1x16xf32>
      tpu.vector_store %arg8[%swap3A_80, %swap3A_81], %swap3A_84 {strides = array<i32>} : memref<128x128xf32, #tpu.memory_space<vmem>>, vector<1x16xf32>,
      %broadcast_in_dim3A_85 = arith.constant 0.000000e+00 : f32
      %broadcast_in_dim3A_86 = vector.broadcast %broadcast_in_dim3A_85 : f32 to vector<16xf32>
      %swap3A_87 = arith.index_cast %scan3A_37 : i32 to index
      %swap3A_88 = arith.constant 112 : index
      %swap3A_89 = tpu.vector_load %arg8[%swap3A_87, %swap3A_88] {strides = array<i32>} : memref<128x128xf32, #tpu.memory_space<vmem>>, vector<1x16xf32>,
      %swap3A_90 = vector.shape_cast %swap3A_89 : vector<1x16xf32> to vector<16xf32>
      %swap3A_91 = vector.shape_cast %broadcast_in_dim3A_86 : vector<16xf32> to vector<1x16xf32>
      tpu.vector_store %arg8[%swap3A_87, %swap3A_88], %swap3A_91 {strides = array<i32>} : memref<128x128xf32, #tpu.memory_space<vmem>>, vector<1x16xf32>,
    }
    %scan3A_5 = arith.constant 128 : i32
    %mul3A_6 = arith.constant 640 : i32
    %mul3A_7 = arith.muli %arg1, %mul3A_6 : i32
    %add3A_8 = arith.constant 0 : i32
    %add3A_9 = arith.addi %mul3A_7, %add3A_8 : i32
    "tpu.region"() ({
      %run_scoped3A = tpu.sem_alloc : memref<!tpu.dma_semaphore, #tpu.memory_space<semaphore_mem>>
      %dma_start3A = arith.constant 0 : i32
      %dma_start3A_37 = tpu.memref_slice %arg10[%add3A_9, %dma_start3A] : memref<10240x128xf32, #tpu.memory_space<vmem_shared>> -> memref<128x128xf32, #tpu.memory_space<vmem_shared>>
      %dma_start3A_38 = arith.constant 0 : i32
      %dma_start3A_39 = tpu.memref_slice %arg10[%add3A_9, %dma_start3A_38] : memref<10240x128xf32, #tpu.memory_space<vmem_shared>> -> memref<128x128xf32, #tpu.memory_space<vmem_shared>>
      tpu.enqueue_dma source(%arg8 : memref<128x128xf32, #tpu.memory_space<vmem>>) target(%dma_start3A_39 : memref<128x128xf32, #tpu.memory_space<vmem_shared>>) target_semaphore(%run_scoped3A : memref<!tpu.dma_semaphore, #tpu.memory_space<semaphore_mem>>)
      %dma_wait3A = arith.constant 0 : i32
      %dma_wait3A_40 = tpu.memref_slice %arg10[%add3A_9, %dma_wait3A] : memref<10240x128xf32, #tpu.memory_space<vmem_shared>> -> memref<128x128xf32, #tpu.memory_space<vmem_shared>>
      %dma_wait3A_41 = arith.constant 0 : i32
      %dma_wait3A_42 = tpu.memref_slice %arg10[%add3A_9, %dma_wait3A_41] : memref<10240x128xf32, #tpu.memory_space<vmem_shared>> -> memref<128x128xf32, #tpu.memory_space<vmem_shared>>
      tpu.wait_dma2 semaphore(%run_scoped3A : memref<!tpu.dma_semaphore, #tpu.memory_space<semaphore_mem>>) src(%arg8 : memref<128x128xf32, #tpu.memory_space<vmem>>) dst(%dma_wait3A_42 : memref<128x128xf32, #tpu.memory_space<vmem_shared>>)
      tpu.yield
    }) : () -> ()
    %mul3A_10 = arith.constant 640 : i32
    %mul3A_11 = arith.muli %arg1, %mul3A_10 : i32
    %add3A_12 = arith.constant 128 : i32
    %add3A_13 = arith.addi %mul3A_11, %add3A_12 : i32
    "tpu.region"() ({
      %run_scoped3A = tpu.sem_alloc : memref<!tpu.dma_semaphore, #tpu.memory_space<semaphore_mem>>
      %dma_start3A = arith.constant 0 : i32
      %dma_start3A_37 = tpu.memref_slice %arg10[%add3A_13, %dma_start3A] : memref<10240x128xf32, #tpu.memory_space<vmem_shared>> -> memref<128x128xf32, #tpu.memory_space<vmem_shared>>
      %dma_start3A_38 = arith.constant 0 : i32
      %dma_start3A_39 = tpu.memref_slice %arg10[%add3A_13, %dma_start3A_38] : memref<10240x128xf32, #tpu.memory_space<vmem_shared>> -> memref<128x128xf32, #tpu.memory_space<vmem_shared>>
      tpu.enqueue_dma source(%arg8 : memref<128x128xf32, #tpu.memory_space<vmem>>) target(%dma_start3A_39 : memref<128x128xf32, #tpu.memory_space<vmem_shared>>) target_semaphore(%run_scoped3A : memref<!tpu.dma_semaphore, #tpu.memory_space<semaphore_mem>>)
      %dma_wait3A = arith.constant 0 : i32
      %dma_wait3A_40 = tpu.memref_slice %arg10[%add3A_13, %dma_wait3A] : memref<10240x128xf32, #tpu.memory_space<vmem_shared>> -> memref<128x128xf32, #tpu.memory_space<vmem_shared>>
      %dma_wait3A_41 = arith.constant 0 : i32
      %dma_wait3A_42 = tpu.memref_slice %arg10[%add3A_13, %dma_wait3A_41] : memref<10240x128xf32, #tpu.memory_space<vmem_shared>> -> memref<128x128xf32, #tpu.memory_space<vmem_shared>>
      tpu.wait_dma2 semaphore(%run_scoped3A : memref<!tpu.dma_semaphore, #tpu.memory_space<semaphore_mem>>) src(%arg8 : memref<128x128xf32, #tpu.memory_space<vmem>>) dst(%dma_wait3A_42 : memref<128x128xf32, #tpu.memory_space<vmem_shared>>)
      tpu.yield
    }) : () -> ()
    %mul3A_14 = arith.constant 640 : i32
    %mul3A_15 = arith.muli %arg1, %mul3A_14 : i32
    %add3A_16 = arith.constant 256 : i32
    %add3A_17 = arith.addi %mul3A_15, %add3A_16 : i32
    "tpu.region"() ({
      %run_scoped3A = tpu.sem_alloc : memref<!tpu.dma_semaphore, #tpu.memory_space<semaphore_mem>>
      %dma_start3A = arith.constant 0 : i32
      %dma_start3A_37 = tpu.memref_slice %arg10[%add3A_17, %dma_start3A] : memref<10240x128xf32, #tpu.memory_space<vmem_shared>> -> memref<128x128xf32, #tpu.memory_space<vmem_shared>>
      %dma_start3A_38 = arith.constant 0 : i32
      %dma_start3A_39 = tpu.memref_slice %arg10[%add3A_17, %dma_start3A_38] : memref<10240x128xf32, #tpu.memory_space<vmem_shared>> -> memref<128x128xf32, #tpu.memory_space<vmem_shared>>
      tpu.enqueue_dma source(%arg8 : memref<128x128xf32, #tpu.memory_space<vmem>>) target(%dma_start3A_39 : memref<128x128xf32, #tpu.memory_space<vmem_shared>>) target_semaphore(%run_scoped3A : memref<!tpu.dma_semaphore, #tpu.memory_space<semaphore_mem>>)
      %dma_wait3A = arith.constant 0 : i32
      %dma_wait3A_40 = tpu.memref_slice %arg10[%add3A_17, %dma_wait3A] : memref<10240x128xf32, #tpu.memory_space<vmem_shared>> -> memref<128x128xf32, #tpu.memory_space<vmem_shared>>
      %dma_wait3A_41 = arith.constant 0 : i32
      %dma_wait3A_42 = tpu.memref_slice %arg10[%add3A_17, %dma_wait3A_41] : memref<10240x128xf32, #tpu.memory_space<vmem_shared>> -> memref<128x128xf32, #tpu.memory_space<vmem_shared>>
      tpu.wait_dma2 semaphore(%run_scoped3A : memref<!tpu.dma_semaphore, #tpu.memory_space<semaphore_mem>>) src(%arg8 : memref<128x128xf32, #tpu.memory_space<vmem>>) dst(%dma_wait3A_42 : memref<128x128xf32, #tpu.memory_space<vmem_shared>>)
      tpu.yield
    }) : () -> ()
    %mul3A_18 = arith.constant 640 : i32
    %mul3A_19 = arith.muli %arg1, %mul3A_18 : i32
    %add3A_20 = arith.constant 384 : i32
    %add3A_21 = arith.addi %mul3A_19, %add3A_20 : i32
    "tpu.region"() ({
      %run_scoped3A = tpu.sem_alloc : memref<!tpu.dma_semaphore, #tpu.memory_space<semaphore_mem>>
      %dma_start3A = arith.constant 0 : i32
      %dma_start3A_37 = tpu.memref_slice %arg10[%add3A_21, %dma_start3A] : memref<10240x128xf32, #tpu.memory_space<vmem_shared>> -> memref<128x128xf32, #tpu.memory_space<vmem_shared>>
      %dma_start3A_38 = arith.constant 0 : i32
      %dma_start3A_39 = tpu.memref_slice %arg10[%add3A_21, %dma_start3A_38] : memref<10240x128xf32, #tpu.memory_space<vmem_shared>> -> memref<128x128xf32, #tpu.memory_space<vmem_shared>>
      tpu.enqueue_dma source(%arg8 : memref<128x128xf32, #tpu.memory_space<vmem>>) target(%dma_start3A_39 : memref<128x128xf32, #tpu.memory_space<vmem_shared>>) target_semaphore(%run_scoped3A : memref<!tpu.dma_semaphore, #tpu.memory_space<semaphore_mem>>)
      %dma_wait3A = arith.constant 0 : i32
      %dma_wait3A_40 = tpu.memref_slice %arg10[%add3A_21, %dma_wait3A] : memref<10240x128xf32, #tpu.memory_space<vmem_shared>> -> memref<128x128xf32, #tpu.memory_space<vmem_shared>>
      %dma_wait3A_41 = arith.constant 0 : i32
      %dma_wait3A_42 = tpu.memref_slice %arg10[%add3A_21, %dma_wait3A_41] : memref<10240x128xf32, #tpu.memory_space<vmem_shared>> -> memref<128x128xf32, #tpu.memory_space<vmem_shared>>
      tpu.wait_dma2 semaphore(%run_scoped3A : memref<!tpu.dma_semaphore, #tpu.memory_space<semaphore_mem>>) src(%arg8 : memref<128x128xf32, #tpu.memory_space<vmem>>) dst(%dma_wait3A_42 : memref<128x128xf32, #tpu.memory_space<vmem_shared>>)
      tpu.yield
    }) : () -> ()
    %mul3A_22 = arith.constant 640 : i32
    %mul3A_23 = arith.muli %arg1, %mul3A_22 : i32
    %add3A_24 = arith.constant 512 : i32
    %add3A_25 = arith.addi %mul3A_23, %add3A_24 : i32
    "tpu.region"() ({
      %run_scoped3A = tpu.sem_alloc : memref<!tpu.dma_semaphore, #tpu.memory_space<semaphore_mem>>
      %dma_start3A = arith.constant 0 : i32
      %dma_start3A_37 = tpu.memref_slice %arg10[%add3A_25, %dma_start3A] : memref<10240x128xf32, #tpu.memory_space<vmem_shared>> -> memref<128x128xf32, #tpu.memory_space<vmem_shared>>
      %dma_start3A_38 = arith.constant 0 : i32
      %dma_start3A_39 = tpu.memref_slice %arg10[%add3A_25, %dma_start3A_38] : memref<10240x128xf32, #tpu.memory_space<vmem_shared>> -> memref<128x128xf32, #tpu.memory_space<vmem_shared>>
      tpu.enqueue_dma source(%arg8 : memref<128x128xf32, #tpu.memory_space<vmem>>) target(%dma_start3A_39 : memref<128x128xf32, #tpu.memory_space<vmem_shared>>) target_semaphore(%run_scoped3A : memref<!tpu.dma_semaphore, #tpu.memory_space<semaphore_mem>>)
      %dma_wait3A = arith.constant 0 : i32
      %dma_wait3A_40 = tpu.memref_slice %arg10[%add3A_25, %dma_wait3A] : memref<10240x128xf32, #tpu.memory_space<vmem_shared>> -> memref<128x128xf32, #tpu.memory_space<vmem_shared>>
      %dma_wait3A_41 = arith.constant 0 : i32
      %dma_wait3A_42 = tpu.memref_slice %arg10[%add3A_25, %dma_wait3A_41] : memref<10240x128xf32, #tpu.memory_space<vmem_shared>> -> memref<128x128xf32, #tpu.memory_space<vmem_shared>>
      tpu.wait_dma2 semaphore(%run_scoped3A : memref<!tpu.dma_semaphore, #tpu.memory_space<semaphore_mem>>) src(%arg8 : memref<128x128xf32, #tpu.memory_space<vmem>>) dst(%dma_wait3A_42 : memref<128x128xf32, #tpu.memory_space<vmem_shared>>)
      tpu.yield
    }) : () -> ()
    %barrier3A = arith.constant 0 : index
    tpu.barrier barrier_id(%barrier3A)
    %scan3A_26 = arith.constant 0 : i32
    %scan3A_27 = arith.constant 0 : i32
    %scan3A_28 = arith.constant 2 : i32
    %scan3A_29 = arith.addi %scan3A_27, %scan3A_28 : i32
    %scan3A_30 = arith.constant 1 : i32
    scf.for %scan3A_37 = %scan3A_27 to %scan3A_29 step %scan3A_30  : i32 {
      %mul3A_38 = arith.constant 40 : i32
      %mul3A_39 = arith.muli %scan3A_37, %mul3A_38 : i32
      "tpu.region"() ({
        %run_scoped3A = tpu.sem_alloc : memref<!tpu.dma_semaphore, #tpu.memory_space<semaphore_mem>>
        %dma_start3A_54 = arith.constant 0 : i32
        %dma_start3A_55 = tpu.memref_slice %arg3[%add3A, %mul3A_39, %dma_start3A_54] : memref<32x80x128xi32, #tpu.memory_space<hbm>> -> memref<1x40x128xi32, #tpu.memory_space<hbm>>
        %dma_start3A_56 = tpu.memref_squeeze %dma_start3A_55 : memref<1x40x128xi32, #tpu.memory_space<hbm>> -> memref<40x128xi32, #tpu.memory_space<hbm>>
        %dma_start3A_57 = arith.constant 0 : i32
        %dma_start3A_58 = tpu.memref_slice %arg3[%add3A, %mul3A_39, %dma_start3A_57] : memref<32x80x128xi32, #tpu.memory_space<hbm>> -> memref<1x40x128xi32, #tpu.memory_space<hbm>>
        %dma_start3A_59 = tpu.memref_squeeze %dma_start3A_58 : memref<1x40x128xi32, #tpu.memory_space<hbm>> -> memref<40x128xi32, #tpu.memory_space<hbm>>
        tpu.enqueue_dma source(%dma_start3A_59 : memref<40x128xi32, #tpu.memory_space<hbm>>) target(%arg6 : memref<40x128xi32, #tpu.memory_space<vmem>>) target_semaphore(%run_scoped3A : memref<!tpu.dma_semaphore, #tpu.memory_space<semaphore_mem>>)
        %dma_wait3A = arith.constant 0 : i32
        %dma_wait3A_60 = tpu.memref_slice %arg3[%add3A, %mul3A_39, %dma_wait3A] : memref<32x80x128xi32, #tpu.memory_space<hbm>> -> memref<1x40x128xi32, #tpu.memory_space<hbm>>
        %dma_wait3A_61 = tpu.memref_squeeze %dma_wait3A_60 : memref<1x40x128xi32, #tpu.memory_space<hbm>> -> memref<40x128xi32, #tpu.memory_space<hbm>>
        %dma_wait3A_62 = arith.constant 0 : i32
        %dma_wait3A_63 = tpu.memref_slice %arg3[%add3A, %mul3A_39, %dma_wait3A_62] : memref<32x80x128xi32, #tpu.memory_space<hbm>> -> memref<1x40x128xi32, #tpu.memory_space<hbm>>
        %dma_wait3A_64 = tpu.memref_squeeze %dma_wait3A_63 : memref<1x40x128xi32, #tpu.memory_space<hbm>> -> memref<40x128xi32, #tpu.memory_space<hbm>>
        tpu.wait_dma2 semaphore(%run_scoped3A : memref<!tpu.dma_semaphore, #tpu.memory_space<semaphore_mem>>) src(%dma_wait3A_64 : memref<40x128xi32, #tpu.memory_space<hbm>>) dst(%arg6 : memref<40x128xi32, #tpu.memory_space<vmem>>)
        tpu.yield
      }) : () -> ()
      %mul3A_40 = arith.constant 40 : i32
      %mul3A_41 = arith.muli %scan3A_37, %mul3A_40 : i32
      "tpu.region"() ({
        %run_scoped3A = tpu.sem_alloc : memref<!tpu.dma_semaphore, #tpu.memory_space<semaphore_mem>>
        %dma_start3A_54 = arith.constant 0 : i32
        %dma_start3A_55 = tpu.memref_slice %arg4[%add3A, %mul3A_41, %dma_start3A_54] : memref<32x80x128xi32, #tpu.memory_space<hbm>> -> memref<1x40x128xi32, #tpu.memory_space<hbm>>
        %dma_start3A_56 = tpu.memref_squeeze %dma_start3A_55 : memref<1x40x128xi32, #tpu.memory_space<hbm>> -> memref<40x128xi32, #tpu.memory_space<hbm>>
        %dma_start3A_57 = arith.constant 0 : i32
        %dma_start3A_58 = tpu.memref_slice %arg4[%add3A, %mul3A_41, %dma_start3A_57] : memref<32x80x128xi32, #tpu.memory_space<hbm>> -> memref<1x40x128xi32, #tpu.memory_space<hbm>>
        %dma_start3A_59 = tpu.memref_squeeze %dma_start3A_58 : memref<1x40x128xi32, #tpu.memory_space<hbm>> -> memref<40x128xi32, #tpu.memory_space<hbm>>
        tpu.enqueue_dma source(%dma_start3A_59 : memref<40x128xi32, #tpu.memory_space<hbm>>) target(%arg7 : memref<40x128xi32, #tpu.memory_space<vmem>>) target_semaphore(%run_scoped3A : memref<!tpu.dma_semaphore, #tpu.memory_space<semaphore_mem>>)
        %dma_wait3A = arith.constant 0 : i32
        %dma_wait3A_60 = tpu.memref_slice %arg4[%add3A, %mul3A_41, %dma_wait3A] : memref<32x80x128xi32, #tpu.memory_space<hbm>> -> memref<1x40x128xi32, #tpu.memory_space<hbm>>
        %dma_wait3A_61 = tpu.memref_squeeze %dma_wait3A_60 : memref<1x40x128xi32, #tpu.memory_space<hbm>> -> memref<40x128xi32, #tpu.memory_space<hbm>>
        %dma_wait3A_62 = arith.constant 0 : i32
        %dma_wait3A_63 = tpu.memref_slice %arg4[%add3A, %mul3A_41, %dma_wait3A_62] : memref<32x80x128xi32, #tpu.memory_space<hbm>> -> memref<1x40x128xi32, #tpu.memory_space<hbm>>
        %dma_wait3A_64 = tpu.memref_squeeze %dma_wait3A_63 : memref<1x40x128xi32, #tpu.memory_space<hbm>> -> memref<40x128xi32, #tpu.memory_space<hbm>>
        tpu.wait_dma2 semaphore(%run_scoped3A : memref<!tpu.dma_semaphore, #tpu.memory_space<semaphore_mem>>) src(%dma_wait3A_64 : memref<40x128xi32, #tpu.memory_space<hbm>>) dst(%arg7 : memref<40x128xi32, #tpu.memory_space<vmem>>)
        tpu.yield
      }) : () -> ()
      %dma_start3A = arith.constant 0 : i32
      %dma_start3A_42 = arith.constant 0 : i32
      %dma_start3A_43 = tpu.memref_slice %arg6[%dma_start3A, %dma_start3A_42] : memref<40x128xi32, #tpu.memory_space<vmem>> -> memref<1x128xi32, #tpu.memory_space<vmem>>
      %dma_start3A_44 = tpu.memref_squeeze %dma_start3A_43 : memref<1x128xi32, #tpu.memory_space<vmem>> -> memref<128xi32, #tpu.memory_space<vmem>>
      %dma_start3A_45 = arith.constant 0 : i32
      %dma_start3A_46 = arith.constant 0 : i32
      %dma_start3A_47 = tpu.memref_slice %arg2[%dma_start3A_45, %dma_start3A_46] : memref<10240x128xf32, #tpu.memory_space<hbm>> -> memref<10240x128xf32, #tpu.memory_space<hbm>>
      tpu.enqueue_indirect_dma source(%dma_start3A_47 : memref<10240x128xf32, #tpu.memory_space<hbm>>) target(%arg8 : memref<128x128xf32, #tpu.memory_space<vmem>>) offsets(%dma_start3A_44 : memref<128xi32, #tpu.memory_space<vmem>>) semaphore(%arg11 : memref<!tpu.dma_semaphore, #tpu.memory_space<semaphore_mem>>)
      %scan3A_48 = arith.constant 0 : i32
      %scan3A_49 = arith.constant 0 : i32
      %scan3A_50 = arith.constant 20 : i32
      %scan3A_51 = arith.addi %scan3A_49, %scan3A_50 : i32
      %scan3A_52 = arith.constant 1 : i32
      scf.for %scan3A_54 = %scan3A_49 to %scan3A_51 step %scan3A_52  : i32 {
        %mul3A_55 = arith.constant 2 : i32
        %mul3A_56 = arith.muli %scan3A_54, %mul3A_55 : i32
        %add3A_57 = arith.constant 1 : i32
        %add3A_58 = arith.addi %mul3A_56, %add3A_57 : i32
        %add3A_59 = arith.constant 2 : i32
        %add3A_60 = arith.addi %mul3A_56, %add3A_59 : i32
        %dma_wait3A = arith.constant 0 : i32
        %dma_wait3A_61 = tpu.memref_slice %arg6[%mul3A_56, %dma_wait3A] : memref<40x128xi32, #tpu.memory_space<vmem>> -> memref<1x128xi32, #tpu.memory_space<vmem>>
        %dma_wait3A_62 = tpu.memref_squeeze %dma_wait3A_61 : memref<1x128xi32, #tpu.memory_space<vmem>> -> memref<128xi32, #tpu.memory_space<vmem>>
        %dma_wait3A_63 = arith.constant 0 : i32
        %dma_wait3A_64 = arith.constant 0 : i32
        %dma_wait3A_65 = tpu.memref_slice %arg2[%dma_wait3A_63, %dma_wait3A_64] : memref<10240x128xf32, #tpu.memory_space<hbm>> -> memref<10240x128xf32, #tpu.memory_space<hbm>>
        tpu.wait_indirect_dma semaphore(%arg11 : memref<!tpu.dma_semaphore, #tpu.memory_space<semaphore_mem>>) src(%dma_wait3A_65 : memref<10240x128xf32, #tpu.memory_space<hbm>>) dst(%arg8 : memref<128x128xf32, #tpu.memory_space<vmem>>)
        %dma_start3A_66 = arith.constant 0 : i32
        %dma_start3A_67 = tpu.memref_slice %arg6[%add3A_58, %dma_start3A_66] : memref<40x128xi32, #tpu.memory_space<vmem>> -> memref<1x128xi32, #tpu.memory_space<vmem>>
        %dma_start3A_68 = tpu.memref_squeeze %dma_start3A_67 : memref<1x128xi32, #tpu.memory_space<vmem>> -> memref<128xi32, #tpu.memory_space<vmem>>
        %dma_start3A_69 = arith.constant 0 : i32
        %dma_start3A_70 = arith.constant 0 : i32
        %dma_start3A_71 = tpu.memref_slice %arg2[%dma_start3A_69, %dma_start3A_70] : memref<10240x128xf32, #tpu.memory_space<hbm>> -> memref<10240x128xf32, #tpu.memory_space<hbm>>
        tpu.enqueue_indirect_dma source(%dma_start3A_71 : memref<10240x128xf32, #tpu.memory_space<hbm>>) target(%arg9 : memref<128x128xf32, #tpu.memory_space<vmem>>) offsets(%dma_start3A_68 : memref<128xi32, #tpu.memory_space<vmem>>) semaphore(%arg12 : memref<!tpu.dma_semaphore, #tpu.memory_space<semaphore_mem>>)
        "tpu.region"() ({
          %run_scoped3A = tpu.sem_alloc : memref<!tpu.dma_semaphore, #tpu.memory_space<semaphore_mem>>
          %dma_start3A_80 = arith.constant 0 : i32
          %dma_start3A_81 = tpu.memref_slice %arg7[%mul3A_56, %dma_start3A_80] : memref<40x128xi32, #tpu.memory_space<vmem>> -> memref<1x128xi32, #tpu.memory_space<vmem>>
          %dma_start3A_82 = tpu.memref_squeeze %dma_start3A_81 : memref<1x128xi32, #tpu.memory_space<vmem>> -> memref<128xi32, #tpu.memory_space<vmem>>
          %dma_start3A_83 = arith.constant 0 : i32
          %dma_start3A_84 = arith.constant 0 : i32
          %dma_start3A_85 = tpu.memref_slice %arg10[%dma_start3A_83, %dma_start3A_84] : memref<10240x128xf32, #tpu.memory_space<vmem_shared>> -> memref<10240x128xf32, #tpu.memory_space<vmem_shared>>
          tpu.enqueue_indirect_dma source(%arg8 : memref<128x128xf32, #tpu.memory_space<vmem>>) target(%dma_start3A_85 : memref<10240x128xf32, #tpu.memory_space<vmem_shared>>) offsets(%dma_start3A_82 : memref<128xi32, #tpu.memory_space<vmem>>) semaphore(%run_scoped3A : memref<!tpu.dma_semaphore, #tpu.memory_space<semaphore_mem>>) {add = true}
          %dma_wait3A_86 = arith.constant 0 : i32
          %dma_wait3A_87 = tpu.memref_slice %arg7[%mul3A_56, %dma_wait3A_86] : memref<40x128xi32, #tpu.memory_space<vmem>> -> memref<1x128xi32, #tpu.memory_space<vmem>>
          %dma_wait3A_88 = tpu.memref_squeeze %dma_wait3A_87 : memref<1x128xi32, #tpu.memory_space<vmem>> -> memref<128xi32, #tpu.memory_space<vmem>>
          %dma_wait3A_89 = arith.constant 0 : i32
          %dma_wait3A_90 = arith.constant 0 : i32
          %dma_wait3A_91 = tpu.memref_slice %arg10[%dma_wait3A_89, %dma_wait3A_90] : memref<10240x128xf32, #tpu.memory_space<vmem_shared>> -> memref<10240x128xf32, #tpu.memory_space<vmem_shared>>
          tpu.wait_indirect_dma semaphore(%run_scoped3A : memref<!tpu.dma_semaphore, #tpu.memory_space<semaphore_mem>>) src(%arg8 : memref<128x128xf32, #tpu.memory_space<vmem>>) dst(%dma_wait3A_91 : memref<10240x128xf32, #tpu.memory_space<vmem_shared>>)
          tpu.yield
        }) : () -> ()
        %dma_wait3A_72 = arith.constant 0 : i32
        %dma_wait3A_73 = tpu.memref_slice %arg6[%add3A_58, %dma_wait3A_72] : memref<40x128xi32, #tpu.memory_space<vmem>> -> memref<1x128xi32, #tpu.memory_space<vmem>>
        %dma_wait3A_74 = tpu.memref_squeeze %dma_wait3A_73 : memref<1x128xi32, #tpu.memory_space<vmem>> -> memref<128xi32, #tpu.memory_space<vmem>>
        %dma_wait3A_75 = arith.constant 0 : i32
        %dma_wait3A_76 = arith.constant 0 : i32
        %dma_wait3A_77 = tpu.memref_slice %arg2[%dma_wait3A_75, %dma_wait3A_76] : memref<10240x128xf32, #tpu.memory_space<hbm>> -> memref<10240x128xf32, #tpu.memory_space<hbm>>
        tpu.wait_indirect_dma semaphore(%arg12 : memref<!tpu.dma_semaphore, #tpu.memory_space<semaphore_mem>>) src(%dma_wait3A_77 : memref<10240x128xf32, #tpu.memory_space<hbm>>) dst(%arg9 : memref<128x128xf32, #tpu.memory_space<vmem>>)
        %lt3A = arith.constant 40 : i32
        %lt3A_78 = arith.cmpi slt, %add3A_60, %lt3A : i32
        %convert_element_type3A = arith.extui %lt3A_78 : i1 to i32
        %cond3A = arith.constant 0 : i32
        %cond3A_79 = arith.cmpi ne, %convert_element_type3A, %cond3A : i32
        scf.if %cond3A_79 {
          %dma_start3A_80 = arith.constant 0 : i32
          %dma_start3A_81 = tpu.memref_slice %arg6[%add3A_60, %dma_start3A_80] : memref<40x128xi32, #tpu.memory_space<vmem>> -> memref<1x128xi32, #tpu.memory_space<vmem>>
          %dma_start3A_82 = tpu.memref_squeeze %dma_start3A_81 : memref<1x128xi32, #tpu.memory_space<vmem>> -> memref<128xi32, #tpu.memory_space<vmem>>
          %dma_start3A_83 = arith.constant 0 : i32
          %dma_start3A_84 = arith.constant 0 : i32
          %dma_start3A_85 = tpu.memref_slice %arg2[%dma_start3A_83, %dma_start3A_84] : memref<10240x128xf32, #tpu.memory_space<hbm>> -> memref<10240x128xf32, #tpu.memory_space<hbm>>
          tpu.enqueue_indirect_dma source(%dma_start3A_85 : memref<10240x128xf32, #tpu.memory_space<hbm>>) target(%arg8 : memref<128x128xf32, #tpu.memory_space<vmem>>) offsets(%dma_start3A_82 : memref<128xi32, #tpu.memory_space<vmem>>) semaphore(%arg11 : memref<!tpu.dma_semaphore, #tpu.memory_space<semaphore_mem>>)
        } else {
        }
        "tpu.region"() ({
          %run_scoped3A = tpu.sem_alloc : memref<!tpu.dma_semaphore, #tpu.memory_space<semaphore_mem>>
          %dma_start3A_80 = arith.constant 0 : i32
          %dma_start3A_81 = tpu.memref_slice %arg7[%add3A_58, %dma_start3A_80] : memref<40x128xi32, #tpu.memory_space<vmem>> -> memref<1x128xi32, #tpu.memory_space<vmem>>
          %dma_start3A_82 = tpu.memref_squeeze %dma_start3A_81 : memref<1x128xi32, #tpu.memory_space<vmem>> -> memref<128xi32, #tpu.memory_space<vmem>>
          %dma_start3A_83 = arith.constant 0 : i32
          %dma_start3A_84 = arith.constant 0 : i32
          %dma_start3A_85 = tpu.memref_slice %arg10[%dma_start3A_83, %dma_start3A_84] : memref<10240x128xf32, #tpu.memory_space<vmem_shared>> -> memref<10240x128xf32, #tpu.memory_space<vmem_shared>>
          tpu.enqueue_indirect_dma source(%arg9 : memref<128x128xf32, #tpu.memory_space<vmem>>) target(%dma_start3A_85 : memref<10240x128xf32, #tpu.memory_space<vmem_shared>>) offsets(%dma_start3A_82 : memref<128xi32, #tpu.memory_space<vmem>>) semaphore(%run_scoped3A : memref<!tpu.dma_semaphore, #tpu.memory_space<semaphore_mem>>) {add = true}
          %dma_wait3A_86 = arith.constant 0 : i32
          %dma_wait3A_87 = tpu.memref_slice %arg7[%add3A_58, %dma_wait3A_86] : memref<40x128xi32, #tpu.memory_space<vmem>> -> memref<1x128xi32, #tpu.memory_space<vmem>>
          %dma_wait3A_88 = tpu.memref_squeeze %dma_wait3A_87 : memref<1x128xi32, #tpu.memory_space<vmem>> -> memref<128xi32, #tpu.memory_space<vmem>>
          %dma_wait3A_89 = arith.constant 0 : i32
          %dma_wait3A_90 = arith.constant 0 : i32
          %dma_wait3A_91 = tpu.memref_slice %arg10[%dma_wait3A_89, %dma_wait3A_90] : memref<10240x128xf32, #tpu.memory_space<vmem_shared>> -> memref<10240x128xf32, #tpu.memory_space<vmem_shared>>
          tpu.wait_indirect_dma semaphore(%run_scoped3A : memref<!tpu.dma_semaphore, #tpu.memory_space<semaphore_mem>>) src(%arg9 : memref<128x128xf32, #tpu.memory_space<vmem>>) dst(%dma_wait3A_91 : memref<10240x128xf32, #tpu.memory_space<vmem_shared>>)
          tpu.yield
        }) : () -> ()
      }
      %scan3A_53 = arith.constant 20 : i32
    }
    %scan3A_31 = arith.constant 2 : i32
    %barrier3A_32 = arith.constant 0 : index
    tpu.barrier barrier_id(%barrier3A_32)
    %mul3A_33 = arith.constant 640 : i32
    %mul3A_34 = arith.muli %arg1, %mul3A_33 : i32
    %mul3A_35 = arith.constant 640 : i32
    %mul3A_36 = arith.muli %arg1, %mul3A_35 : i32
    "tpu.region"() ({
      %run_scoped3A = tpu.sem_alloc : memref<!tpu.dma_semaphore, #tpu.memory_space<semaphore_mem>>
      %dma_start3A = arith.constant 0 : i32
      %dma_start3A_37 = tpu.memref_slice %arg5[%arg0, %mul3A_36, %dma_start3A] : memref<2x10240x128xf32, #tpu.memory_space<hbm>> -> memref<1x640x128xf32, #tpu.memory_space<hbm>>
      %dma_start3A_38 = tpu.memref_squeeze %dma_start3A_37 : memref<1x640x128xf32, #tpu.memory_space<hbm>> -> memref<640x128xf32, #tpu.memory_space<hbm>>
      %dma_start3A_39 = arith.constant 0 : i32
      %dma_start3A_40 = tpu.memref_slice %arg10[%mul3A_34, %dma_start3A_39] : memref<10240x128xf32, #tpu.memory_space<vmem_shared>> -> memref<640x128xf32, #tpu.memory_space<vmem_shared>>
      tpu.enqueue_dma source(%dma_start3A_40 : memref<640x128xf32, #tpu.memory_space<vmem_shared>>) target(%dma_start3A_38 : memref<640x128xf32, #tpu.memory_space<hbm>>) target_semaphore(%run_scoped3A : memref<!tpu.dma_semaphore, #tpu.memory_space<semaphore_mem>>)
      %dma_wait3A = arith.constant 0 : i32
      %dma_wait3A_41 = tpu.memref_slice %arg5[%arg0, %mul3A_36, %dma_wait3A] : memref<2x10240x128xf32, #tpu.memory_space<hbm>> -> memref<1x640x128xf32, #tpu.memory_space<hbm>>
      %dma_wait3A_42 = tpu.memref_squeeze %dma_wait3A_41 : memref<1x640x128xf32, #tpu.memory_space<hbm>> -> memref<640x128xf32, #tpu.memory_space<hbm>>
      %dma_wait3A_43 = arith.constant 0 : i32
      %dma_wait3A_44 = tpu.memref_slice %arg10[%mul3A_34, %dma_wait3A_43] : memref<10240x128xf32, #tpu.memory_space<vmem_shared>> -> memref<640x128xf32, #tpu.memory_space<vmem_shared>>
      tpu.wait_dma2 semaphore(%run_scoped3A : memref<!tpu.dma_semaphore, #tpu.memory_space<semaphore_mem>>) src(%dma_wait3A_44 : memref<640x128xf32, #tpu.memory_space<vmem_shared>>) dst(%dma_wait3A_42 : memref<640x128xf32, #tpu.memory_space<hbm>>)
      tpu.yield
    }) : () -> ()
    return
  }
}

#map = affine_map<(d0, d1) -> (0, 0, 0)>
module attributes {stable_mosaic.version = 14 : i64} {
  func.func @deg_kernel(%arg0: i32, %arg1: i32, %arg2: memref<32x80x128xi32, #tpu.memory_space<hbm>>, %arg3: memref<2x10240x128xf32, #tpu.memory_space<hbm>>, %arg4: memref<80x128xi32, #tpu.memory_space<vmem>>, %arg5: memref<128x128xf32, #tpu.memory_space<vmem>>, %arg6: memref<10240x128xf32, #tpu.memory_space<vmem_shared>>, %arg7: memref<!tpu.dma_semaphore, #tpu.memory_space<semaphore_mem>>) attributes {dimension_semantics = [#tpu.dimension_semantics<core_parallel>, #tpu.dimension_semantics<subcore_parallel>], iteration_bounds = array<i64: 2, 16>, scalar_prefetch = 0 : i64, scratch_operands = 4 : i64, tpu.core_type = #tpu.core_type<sc_vector_subcore>, window_params = [{transform_indices = #map}, {transform_indices = #map}]} {
    %mul3A = arith.constant 16 : i32
    %mul3A_0 = arith.muli %arg0, %mul3A : i32
    %add3A = arith.addi %mul3A_0, %arg1 : i32
    "tpu.region"() ({
      %run_scoped3A = tpu.sem_alloc : memref<!tpu.dma_semaphore, #tpu.memory_space<semaphore_mem>>
      %dma_start3A = arith.constant 0 : i32
      %dma_start3A_49 = arith.constant 0 : i32
      %dma_start3A_50 = tpu.memref_slice %arg2[%add3A, %dma_start3A, %dma_start3A_49] : memref<32x80x128xi32, #tpu.memory_space<hbm>> -> memref<1x80x128xi32, #tpu.memory_space<hbm>>
      %dma_start3A_51 = tpu.memref_squeeze %dma_start3A_50 : memref<1x80x128xi32, #tpu.memory_space<hbm>> -> memref<80x128xi32, #tpu.memory_space<hbm>>
      %dma_start3A_52 = arith.constant 0 : i32
      %dma_start3A_53 = arith.constant 0 : i32
      %dma_start3A_54 = tpu.memref_slice %arg2[%add3A, %dma_start3A_52, %dma_start3A_53] : memref<32x80x128xi32, #tpu.memory_space<hbm>> -> memref<1x80x128xi32, #tpu.memory_space<hbm>>
      %dma_start3A_55 = tpu.memref_squeeze %dma_start3A_54 : memref<1x80x128xi32, #tpu.memory_space<hbm>> -> memref<80x128xi32, #tpu.memory_space<hbm>>
      tpu.enqueue_dma source(%dma_start3A_55 : memref<80x128xi32, #tpu.memory_space<hbm>>) target(%arg4 : memref<80x128xi32, #tpu.memory_space<vmem>>) target_semaphore(%run_scoped3A : memref<!tpu.dma_semaphore, #tpu.memory_space<semaphore_mem>>)
      %dma_wait3A = arith.constant 0 : i32
      %dma_wait3A_56 = arith.constant 0 : i32
      %dma_wait3A_57 = tpu.memref_slice %arg2[%add3A, %dma_wait3A, %dma_wait3A_56] : memref<32x80x128xi32, #tpu.memory_space<hbm>> -> memref<1x80x128xi32, #tpu.memory_space<hbm>>
      %dma_wait3A_58 = tpu.memref_squeeze %dma_wait3A_57 : memref<1x80x128xi32, #tpu.memory_space<hbm>> -> memref<80x128xi32, #tpu.memory_space<hbm>>
      %dma_wait3A_59 = arith.constant 0 : i32
      %dma_wait3A_60 = arith.constant 0 : i32
      %dma_wait3A_61 = tpu.memref_slice %arg2[%add3A, %dma_wait3A_59, %dma_wait3A_60] : memref<32x80x128xi32, #tpu.memory_space<hbm>> -> memref<1x80x128xi32, #tpu.memory_space<hbm>>
      %dma_wait3A_62 = tpu.memref_squeeze %dma_wait3A_61 : memref<1x80x128xi32, #tpu.memory_space<hbm>> -> memref<80x128xi32, #tpu.memory_space<hbm>>
      tpu.wait_dma2 semaphore(%run_scoped3A : memref<!tpu.dma_semaphore, #tpu.memory_space<semaphore_mem>>) src(%dma_wait3A_62 : memref<80x128xi32, #tpu.memory_space<hbm>>) dst(%arg4 : memref<80x128xi32, #tpu.memory_space<vmem>>)
      tpu.yield
    }) : () -> ()
    %scan3A = arith.constant 0 : i32
    %scan3A_1 = arith.constant 0 : i32
    %scan3A_2 = arith.constant 128 : i32
    %scan3A_3 = arith.addi %scan3A_1, %scan3A_2 : i32
    %scan3A_4 = arith.constant 1 : i32
    scf.for %scan3A_49 = %scan3A_1 to %scan3A_3 step %scan3A_4  : i32 {
      %broadcast_in_dim3A = arith.constant 0.000000e+00 : f32
      %broadcast_in_dim3A_50 = vector.broadcast %broadcast_in_dim3A : f32 to vector<16xf32>
      %swap3A = arith.index_cast %scan3A_49 : i32 to index
      %swap3A_51 = arith.constant 0 : index
      %swap3A_52 = tpu.vector_load %arg5[%swap3A, %swap3A_51] {strides = array<i32>} : memref<128x128xf32, #tpu.memory_space<vmem>>, vector<1x16xf32>,
      %swap3A_53 = vector.shape_cast %swap3A_52 : vector<1x16xf32> to vector<16xf32>
      %swap3A_54 = vector.shape_cast %broadcast_in_dim3A_50 : vector<16xf32> to vector<1x16xf32>
      tpu.vector_store %arg5[%swap3A, %swap3A_51], %swap3A_54 {strides = array<i32>} : memref<128x128xf32, #tpu.memory_space<vmem>>, vector<1x16xf32>,
      %broadcast_in_dim3A_55 = arith.constant 0.000000e+00 : f32
      %broadcast_in_dim3A_56 = vector.broadcast %broadcast_in_dim3A_55 : f32 to vector<16xf32>
      %swap3A_57 = arith.index_cast %scan3A_49 : i32 to index
      %swap3A_58 = arith.constant 16 : index
      %swap3A_59 = tpu.vector_load %arg5[%swap3A_57, %swap3A_58] {strides = array<i32>} : memref<128x128xf32, #tpu.memory_space<vmem>>, vector<1x16xf32>,
      %swap3A_60 = vector.shape_cast %swap3A_59 : vector<1x16xf32> to vector<16xf32>
      %swap3A_61 = vector.shape_cast %broadcast_in_dim3A_56 : vector<16xf32> to vector<1x16xf32>
      tpu.vector_store %arg5[%swap3A_57, %swap3A_58], %swap3A_61 {strides = array<i32>} : memref<128x128xf32, #tpu.memory_space<vmem>>, vector<1x16xf32>,
      %broadcast_in_dim3A_62 = arith.constant 0.000000e+00 : f32
      %broadcast_in_dim3A_63 = vector.broadcast %broadcast_in_dim3A_62 : f32 to vector<16xf32>
      %swap3A_64 = arith.index_cast %scan3A_49 : i32 to index
      %swap3A_65 = arith.constant 32 : index
      %swap3A_66 = tpu.vector_load %arg5[%swap3A_64, %swap3A_65] {strides = array<i32>} : memref<128x128xf32, #tpu.memory_space<vmem>>, vector<1x16xf32>,
      %swap3A_67 = vector.shape_cast %swap3A_66 : vector<1x16xf32> to vector<16xf32>
      %swap3A_68 = vector.shape_cast %broadcast_in_dim3A_63 : vector<16xf32> to vector<1x16xf32>
      tpu.vector_store %arg5[%swap3A_64, %swap3A_65], %swap3A_68 {strides = array<i32>} : memref<128x128xf32, #tpu.memory_space<vmem>>, vector<1x16xf32>,
      %broadcast_in_dim3A_69 = arith.constant 0.000000e+00 : f32
      %broadcast_in_dim3A_70 = vector.broadcast %broadcast_in_dim3A_69 : f32 to vector<16xf32>
      %swap3A_71 = arith.index_cast %scan3A_49 : i32 to index
      %swap3A_72 = arith.constant 48 : index
      %swap3A_73 = tpu.vector_load %arg5[%swap3A_71, %swap3A_72] {strides = array<i32>} : memref<128x128xf32, #tpu.memory_space<vmem>>, vector<1x16xf32>,
      %swap3A_74 = vector.shape_cast %swap3A_73 : vector<1x16xf32> to vector<16xf32>
      %swap3A_75 = vector.shape_cast %broadcast_in_dim3A_70 : vector<16xf32> to vector<1x16xf32>
      tpu.vector_store %arg5[%swap3A_71, %swap3A_72], %swap3A_75 {strides = array<i32>} : memref<128x128xf32, #tpu.memory_space<vmem>>, vector<1x16xf32>,
      %broadcast_in_dim3A_76 = arith.constant 0.000000e+00 : f32
      %broadcast_in_dim3A_77 = vector.broadcast %broadcast_in_dim3A_76 : f32 to vector<16xf32>
      %swap3A_78 = arith.index_cast %scan3A_49 : i32 to index
      %swap3A_79 = arith.constant 64 : index
      %swap3A_80 = tpu.vector_load %arg5[%swap3A_78, %swap3A_79] {strides = array<i32>} : memref<128x128xf32, #tpu.memory_space<vmem>>, vector<1x16xf32>,
      %swap3A_81 = vector.shape_cast %swap3A_80 : vector<1x16xf32> to vector<16xf32>
      %swap3A_82 = vector.shape_cast %broadcast_in_dim3A_77 : vector<16xf32> to vector<1x16xf32>
      tpu.vector_store %arg5[%swap3A_78, %swap3A_79], %swap3A_82 {strides = array<i32>} : memref<128x128xf32, #tpu.memory_space<vmem>>, vector<1x16xf32>,
      %broadcast_in_dim3A_83 = arith.constant 0.000000e+00 : f32
      %broadcast_in_dim3A_84 = vector.broadcast %broadcast_in_dim3A_83 : f32 to vector<16xf32>
      %swap3A_85 = arith.index_cast %scan3A_49 : i32 to index
      %swap3A_86 = arith.constant 80 : index
      %swap3A_87 = tpu.vector_load %arg5[%swap3A_85, %swap3A_86] {strides = array<i32>} : memref<128x128xf32, #tpu.memory_space<vmem>>, vector<1x16xf32>,
      %swap3A_88 = vector.shape_cast %swap3A_87 : vector<1x16xf32> to vector<16xf32>
      %swap3A_89 = vector.shape_cast %broadcast_in_dim3A_84 : vector<16xf32> to vector<1x16xf32>
      tpu.vector_store %arg5[%swap3A_85, %swap3A_86], %swap3A_89 {strides = array<i32>} : memref<128x128xf32, #tpu.memory_space<vmem>>, vector<1x16xf32>,
      %broadcast_in_dim3A_90 = arith.constant 0.000000e+00 : f32
      %broadcast_in_dim3A_91 = vector.broadcast %broadcast_in_dim3A_90 : f32 to vector<16xf32>
      %swap3A_92 = arith.index_cast %scan3A_49 : i32 to index
      %swap3A_93 = arith.constant 96 : index
      %swap3A_94 = tpu.vector_load %arg5[%swap3A_92, %swap3A_93] {strides = array<i32>} : memref<128x128xf32, #tpu.memory_space<vmem>>, vector<1x16xf32>,
      %swap3A_95 = vector.shape_cast %swap3A_94 : vector<1x16xf32> to vector<16xf32>
      %swap3A_96 = vector.shape_cast %broadcast_in_dim3A_91 : vector<16xf32> to vector<1x16xf32>
      tpu.vector_store %arg5[%swap3A_92, %swap3A_93], %swap3A_96 {strides = array<i32>} : memref<128x128xf32, #tpu.memory_space<vmem>>, vector<1x16xf32>,
      %broadcast_in_dim3A_97 = arith.constant 0.000000e+00 : f32
      %broadcast_in_dim3A_98 = vector.broadcast %broadcast_in_dim3A_97 : f32 to vector<16xf32>
      %swap3A_99 = arith.index_cast %scan3A_49 : i32 to index
      %swap3A_100 = arith.constant 112 : index
      %swap3A_101 = tpu.vector_load %arg5[%swap3A_99, %swap3A_100] {strides = array<i32>} : memref<128x128xf32, #tpu.memory_space<vmem>>, vector<1x16xf32>,
      %swap3A_102 = vector.shape_cast %swap3A_101 : vector<1x16xf32> to vector<16xf32>
      %swap3A_103 = vector.shape_cast %broadcast_in_dim3A_98 : vector<16xf32> to vector<1x16xf32>
      tpu.vector_store %arg5[%swap3A_99, %swap3A_100], %swap3A_103 {strides = array<i32>} : memref<128x128xf32, #tpu.memory_space<vmem>>, vector<1x16xf32>,
    }
    %scan3A_5 = arith.constant 128 : i32
    %mul3A_6 = arith.constant 640 : i32
    %mul3A_7 = arith.muli %arg1, %mul3A_6 : i32
    %add3A_8 = arith.constant 0 : i32
    %add3A_9 = arith.addi %mul3A_7, %add3A_8 : i32
    "tpu.region"() ({
      %run_scoped3A = tpu.sem_alloc : memref<!tpu.dma_semaphore, #tpu.memory_space<semaphore_mem>>
      %dma_start3A = arith.constant 0 : i32
      %dma_start3A_49 = tpu.memref_slice %arg6[%add3A_9, %dma_start3A] : memref<10240x128xf32, #tpu.memory_space<vmem_shared>> -> memref<128x128xf32, #tpu.memory_space<vmem_shared>>
      %dma_start3A_50 = arith.constant 0 : i32
      %dma_start3A_51 = tpu.memref_slice %arg6[%add3A_9, %dma_start3A_50] : memref<10240x128xf32, #tpu.memory_space<vmem_shared>> -> memref<128x128xf32, #tpu.memory_space<vmem_shared>>
      tpu.enqueue_dma source(%arg5 : memref<128x128xf32, #tpu.memory_space<vmem>>) target(%dma_start3A_51 : memref<128x128xf32, #tpu.memory_space<vmem_shared>>) target_semaphore(%run_scoped3A : memref<!tpu.dma_semaphore, #tpu.memory_space<semaphore_mem>>)
      %dma_wait3A = arith.constant 0 : i32
      %dma_wait3A_52 = tpu.memref_slice %arg6[%add3A_9, %dma_wait3A] : memref<10240x128xf32, #tpu.memory_space<vmem_shared>> -> memref<128x128xf32, #tpu.memory_space<vmem_shared>>
      %dma_wait3A_53 = arith.constant 0 : i32
      %dma_wait3A_54 = tpu.memref_slice %arg6[%add3A_9, %dma_wait3A_53] : memref<10240x128xf32, #tpu.memory_space<vmem_shared>> -> memref<128x128xf32, #tpu.memory_space<vmem_shared>>
      tpu.wait_dma2 semaphore(%run_scoped3A : memref<!tpu.dma_semaphore, #tpu.memory_space<semaphore_mem>>) src(%arg5 : memref<128x128xf32, #tpu.memory_space<vmem>>) dst(%dma_wait3A_54 : memref<128x128xf32, #tpu.memory_space<vmem_shared>>)
      tpu.yield
    }) : () -> ()
    %mul3A_10 = arith.constant 640 : i32
    %mul3A_11 = arith.muli %arg1, %mul3A_10 : i32
    %add3A_12 = arith.constant 128 : i32
    %add3A_13 = arith.addi %mul3A_11, %add3A_12 : i32
    "tpu.region"() ({
      %run_scoped3A = tpu.sem_alloc : memref<!tpu.dma_semaphore, #tpu.memory_space<semaphore_mem>>
      %dma_start3A = arith.constant 0 : i32
      %dma_start3A_49 = tpu.memref_slice %arg6[%add3A_13, %dma_start3A] : memref<10240x128xf32, #tpu.memory_space<vmem_shared>> -> memref<128x128xf32, #tpu.memory_space<vmem_shared>>
      %dma_start3A_50 = arith.constant 0 : i32
      %dma_start3A_51 = tpu.memref_slice %arg6[%add3A_13, %dma_start3A_50] : memref<10240x128xf32, #tpu.memory_space<vmem_shared>> -> memref<128x128xf32, #tpu.memory_space<vmem_shared>>
      tpu.enqueue_dma source(%arg5 : memref<128x128xf32, #tpu.memory_space<vmem>>) target(%dma_start3A_51 : memref<128x128xf32, #tpu.memory_space<vmem_shared>>) target_semaphore(%run_scoped3A : memref<!tpu.dma_semaphore, #tpu.memory_space<semaphore_mem>>)
      %dma_wait3A = arith.constant 0 : i32
      %dma_wait3A_52 = tpu.memref_slice %arg6[%add3A_13, %dma_wait3A] : memref<10240x128xf32, #tpu.memory_space<vmem_shared>> -> memref<128x128xf32, #tpu.memory_space<vmem_shared>>
      %dma_wait3A_53 = arith.constant 0 : i32
      %dma_wait3A_54 = tpu.memref_slice %arg6[%add3A_13, %dma_wait3A_53] : memref<10240x128xf32, #tpu.memory_space<vmem_shared>> -> memref<128x128xf32, #tpu.memory_space<vmem_shared>>
      tpu.wait_dma2 semaphore(%run_scoped3A : memref<!tpu.dma_semaphore, #tpu.memory_space<semaphore_mem>>) src(%arg5 : memref<128x128xf32, #tpu.memory_space<vmem>>) dst(%dma_wait3A_54 : memref<128x128xf32, #tpu.memory_space<vmem_shared>>)
      tpu.yield
    }) : () -> ()
    %mul3A_14 = arith.constant 640 : i32
    %mul3A_15 = arith.muli %arg1, %mul3A_14 : i32
    %add3A_16 = arith.constant 256 : i32
    %add3A_17 = arith.addi %mul3A_15, %add3A_16 : i32
    "tpu.region"() ({
      %run_scoped3A = tpu.sem_alloc : memref<!tpu.dma_semaphore, #tpu.memory_space<semaphore_mem>>
      %dma_start3A = arith.constant 0 : i32
      %dma_start3A_49 = tpu.memref_slice %arg6[%add3A_17, %dma_start3A] : memref<10240x128xf32, #tpu.memory_space<vmem_shared>> -> memref<128x128xf32, #tpu.memory_space<vmem_shared>>
      %dma_start3A_50 = arith.constant 0 : i32
      %dma_start3A_51 = tpu.memref_slice %arg6[%add3A_17, %dma_start3A_50] : memref<10240x128xf32, #tpu.memory_space<vmem_shared>> -> memref<128x128xf32, #tpu.memory_space<vmem_shared>>
      tpu.enqueue_dma source(%arg5 : memref<128x128xf32, #tpu.memory_space<vmem>>) target(%dma_start3A_51 : memref<128x128xf32, #tpu.memory_space<vmem_shared>>) target_semaphore(%run_scoped3A : memref<!tpu.dma_semaphore, #tpu.memory_space<semaphore_mem>>)
      %dma_wait3A = arith.constant 0 : i32
      %dma_wait3A_52 = tpu.memref_slice %arg6[%add3A_17, %dma_wait3A] : memref<10240x128xf32, #tpu.memory_space<vmem_shared>> -> memref<128x128xf32, #tpu.memory_space<vmem_shared>>
      %dma_wait3A_53 = arith.constant 0 : i32
      %dma_wait3A_54 = tpu.memref_slice %arg6[%add3A_17, %dma_wait3A_53] : memref<10240x128xf32, #tpu.memory_space<vmem_shared>> -> memref<128x128xf32, #tpu.memory_space<vmem_shared>>
      tpu.wait_dma2 semaphore(%run_scoped3A : memref<!tpu.dma_semaphore, #tpu.memory_space<semaphore_mem>>) src(%arg5 : memref<128x128xf32, #tpu.memory_space<vmem>>) dst(%dma_wait3A_54 : memref<128x128xf32, #tpu.memory_space<vmem_shared>>)
      tpu.yield
    }) : () -> ()
    %mul3A_18 = arith.constant 640 : i32
    %mul3A_19 = arith.muli %arg1, %mul3A_18 : i32
    %add3A_20 = arith.constant 384 : i32
    %add3A_21 = arith.addi %mul3A_19, %add3A_20 : i32
    "tpu.region"() ({
      %run_scoped3A = tpu.sem_alloc : memref<!tpu.dma_semaphore, #tpu.memory_space<semaphore_mem>>
      %dma_start3A = arith.constant 0 : i32
      %dma_start3A_49 = tpu.memref_slice %arg6[%add3A_21, %dma_start3A] : memref<10240x128xf32, #tpu.memory_space<vmem_shared>> -> memref<128x128xf32, #tpu.memory_space<vmem_shared>>
      %dma_start3A_50 = arith.constant 0 : i32
      %dma_start3A_51 = tpu.memref_slice %arg6[%add3A_21, %dma_start3A_50] : memref<10240x128xf32, #tpu.memory_space<vmem_shared>> -> memref<128x128xf32, #tpu.memory_space<vmem_shared>>
      tpu.enqueue_dma source(%arg5 : memref<128x128xf32, #tpu.memory_space<vmem>>) target(%dma_start3A_51 : memref<128x128xf32, #tpu.memory_space<vmem_shared>>) target_semaphore(%run_scoped3A : memref<!tpu.dma_semaphore, #tpu.memory_space<semaphore_mem>>)
      %dma_wait3A = arith.constant 0 : i32
      %dma_wait3A_52 = tpu.memref_slice %arg6[%add3A_21, %dma_wait3A] : memref<10240x128xf32, #tpu.memory_space<vmem_shared>> -> memref<128x128xf32, #tpu.memory_space<vmem_shared>>
      %dma_wait3A_53 = arith.constant 0 : i32
      %dma_wait3A_54 = tpu.memref_slice %arg6[%add3A_21, %dma_wait3A_53] : memref<10240x128xf32, #tpu.memory_space<vmem_shared>> -> memref<128x128xf32, #tpu.memory_space<vmem_shared>>
      tpu.wait_dma2 semaphore(%run_scoped3A : memref<!tpu.dma_semaphore, #tpu.memory_space<semaphore_mem>>) src(%arg5 : memref<128x128xf32, #tpu.memory_space<vmem>>) dst(%dma_wait3A_54 : memref<128x128xf32, #tpu.memory_space<vmem_shared>>)
      tpu.yield
    }) : () -> ()
    %mul3A_22 = arith.constant 640 : i32
    %mul3A_23 = arith.muli %arg1, %mul3A_22 : i32
    %add3A_24 = arith.constant 512 : i32
    %add3A_25 = arith.addi %mul3A_23, %add3A_24 : i32
    "tpu.region"() ({
      %run_scoped3A = tpu.sem_alloc : memref<!tpu.dma_semaphore, #tpu.memory_space<semaphore_mem>>
      %dma_start3A = arith.constant 0 : i32
      %dma_start3A_49 = tpu.memref_slice %arg6[%add3A_25, %dma_start3A] : memref<10240x128xf32, #tpu.memory_space<vmem_shared>> -> memref<128x128xf32, #tpu.memory_space<vmem_shared>>
      %dma_start3A_50 = arith.constant 0 : i32
      %dma_start3A_51 = tpu.memref_slice %arg6[%add3A_25, %dma_start3A_50] : memref<10240x128xf32, #tpu.memory_space<vmem_shared>> -> memref<128x128xf32, #tpu.memory_space<vmem_shared>>
      tpu.enqueue_dma source(%arg5 : memref<128x128xf32, #tpu.memory_space<vmem>>) target(%dma_start3A_51 : memref<128x128xf32, #tpu.memory_space<vmem_shared>>) target_semaphore(%run_scoped3A : memref<!tpu.dma_semaphore, #tpu.memory_space<semaphore_mem>>)
      %dma_wait3A = arith.constant 0 : i32
      %dma_wait3A_52 = tpu.memref_slice %arg6[%add3A_25, %dma_wait3A] : memref<10240x128xf32, #tpu.memory_space<vmem_shared>> -> memref<128x128xf32, #tpu.memory_space<vmem_shared>>
      %dma_wait3A_53 = arith.constant 0 : i32
      %dma_wait3A_54 = tpu.memref_slice %arg6[%add3A_25, %dma_wait3A_53] : memref<10240x128xf32, #tpu.memory_space<vmem_shared>> -> memref<128x128xf32, #tpu.memory_space<vmem_shared>>
      tpu.wait_dma2 semaphore(%run_scoped3A : memref<!tpu.dma_semaphore, #tpu.memory_space<semaphore_mem>>) src(%arg5 : memref<128x128xf32, #tpu.memory_space<vmem>>) dst(%dma_wait3A_54 : memref<128x128xf32, #tpu.memory_space<vmem_shared>>)
      tpu.yield
    }) : () -> ()
    %scan3A_26 = arith.constant 0 : i32
    %scan3A_27 = arith.constant 0 : i32
    %scan3A_28 = arith.constant 128 : i32
    %scan3A_29 = arith.addi %scan3A_27, %scan3A_28 : i32
    %scan3A_30 = arith.constant 1 : i32
    scf.for %scan3A_49 = %scan3A_27 to %scan3A_29 step %scan3A_30  : i32 {
      %broadcast_in_dim3A = arith.constant 1.000000e+00 : f32
      %broadcast_in_dim3A_50 = vector.broadcast %broadcast_in_dim3A : f32 to vector<16xf32>
      %swap3A = arith.index_cast %scan3A_49 : i32 to index
      %swap3A_51 = arith.constant 0 : index
      %swap3A_52 = tpu.vector_load %arg5[%swap3A, %swap3A_51] {strides = array<i32>} : memref<128x128xf32, #tpu.memory_space<vmem>>, vector<1x16xf32>,
      %swap3A_53 = vector.shape_cast %swap3A_52 : vector<1x16xf32> to vector<16xf32>
      %swap3A_54 = vector.shape_cast %broadcast_in_dim3A_50 : vector<16xf32> to vector<1x16xf32>
      tpu.vector_store %arg5[%swap3A, %swap3A_51], %swap3A_54 {strides = array<i32>} : memref<128x128xf32, #tpu.memory_space<vmem>>, vector<1x16xf32>,
      %broadcast_in_dim3A_55 = arith.constant 1.000000e+00 : f32
      %broadcast_in_dim3A_56 = vector.broadcast %broadcast_in_dim3A_55 : f32 to vector<16xf32>
      %swap3A_57 = arith.index_cast %scan3A_49 : i32 to index
      %swap3A_58 = arith.constant 16 : index
      %swap3A_59 = tpu.vector_load %arg5[%swap3A_57, %swap3A_58] {strides = array<i32>} : memref<128x128xf32, #tpu.memory_space<vmem>>, vector<1x16xf32>,
      %swap3A_60 = vector.shape_cast %swap3A_59 : vector<1x16xf32> to vector<16xf32>
      %swap3A_61 = vector.shape_cast %broadcast_in_dim3A_56 : vector<16xf32> to vector<1x16xf32>
      tpu.vector_store %arg5[%swap3A_57, %swap3A_58], %swap3A_61 {strides = array<i32>} : memref<128x128xf32, #tpu.memory_space<vmem>>, vector<1x16xf32>,
      %broadcast_in_dim3A_62 = arith.constant 1.000000e+00 : f32
      %broadcast_in_dim3A_63 = vector.broadcast %broadcast_in_dim3A_62 : f32 to vector<16xf32>
      %swap3A_64 = arith.index_cast %scan3A_49 : i32 to index
      %swap3A_65 = arith.constant 32 : index
      %swap3A_66 = tpu.vector_load %arg5[%swap3A_64, %swap3A_65] {strides = array<i32>} : memref<128x128xf32, #tpu.memory_space<vmem>>, vector<1x16xf32>,
      %swap3A_67 = vector.shape_cast %swap3A_66 : vector<1x16xf32> to vector<16xf32>
      %swap3A_68 = vector.shape_cast %broadcast_in_dim3A_63 : vector<16xf32> to vector<1x16xf32>
      tpu.vector_store %arg5[%swap3A_64, %swap3A_65], %swap3A_68 {strides = array<i32>} : memref<128x128xf32, #tpu.memory_space<vmem>>, vector<1x16xf32>,
      %broadcast_in_dim3A_69 = arith.constant 1.000000e+00 : f32
      %broadcast_in_dim3A_70 = vector.broadcast %broadcast_in_dim3A_69 : f32 to vector<16xf32>
      %swap3A_71 = arith.index_cast %scan3A_49 : i32 to index
      %swap3A_72 = arith.constant 48 : index
      %swap3A_73 = tpu.vector_load %arg5[%swap3A_71, %swap3A_72] {strides = array<i32>} : memref<128x128xf32, #tpu.memory_space<vmem>>, vector<1x16xf32>,
      %swap3A_74 = vector.shape_cast %swap3A_73 : vector<1x16xf32> to vector<16xf32>
      %swap3A_75 = vector.shape_cast %broadcast_in_dim3A_70 : vector<16xf32> to vector<1x16xf32>
      tpu.vector_store %arg5[%swap3A_71, %swap3A_72], %swap3A_75 {strides = array<i32>} : memref<128x128xf32, #tpu.memory_space<vmem>>, vector<1x16xf32>,
      %broadcast_in_dim3A_76 = arith.constant 1.000000e+00 : f32
      %broadcast_in_dim3A_77 = vector.broadcast %broadcast_in_dim3A_76 : f32 to vector<16xf32>
      %swap3A_78 = arith.index_cast %scan3A_49 : i32 to index
      %swap3A_79 = arith.constant 64 : index
      %swap3A_80 = tpu.vector_load %arg5[%swap3A_78, %swap3A_79] {strides = array<i32>} : memref<128x128xf32, #tpu.memory_space<vmem>>, vector<1x16xf32>,
      %swap3A_81 = vector.shape_cast %swap3A_80 : vector<1x16xf32> to vector<16xf32>
      %swap3A_82 = vector.shape_cast %broadcast_in_dim3A_77 : vector<16xf32> to vector<1x16xf32>
      tpu.vector_store %arg5[%swap3A_78, %swap3A_79], %swap3A_82 {strides = array<i32>} : memref<128x128xf32, #tpu.memory_space<vmem>>, vector<1x16xf32>,
      %broadcast_in_dim3A_83 = arith.constant 1.000000e+00 : f32
      %broadcast_in_dim3A_84 = vector.broadcast %broadcast_in_dim3A_83 : f32 to vector<16xf32>
      %swap3A_85 = arith.index_cast %scan3A_49 : i32 to index
      %swap3A_86 = arith.constant 80 : index
      %swap3A_87 = tpu.vector_load %arg5[%swap3A_85, %swap3A_86] {strides = array<i32>} : memref<128x128xf32, #tpu.memory_space<vmem>>, vector<1x16xf32>,
      %swap3A_88 = vector.shape_cast %swap3A_87 : vector<1x16xf32> to vector<16xf32>
      %swap3A_89 = vector.shape_cast %broadcast_in_dim3A_84 : vector<16xf32> to vector<1x16xf32>
      tpu.vector_store %arg5[%swap3A_85, %swap3A_86], %swap3A_89 {strides = array<i32>} : memref<128x128xf32, #tpu.memory_space<vmem>>, vector<1x16xf32>,
      %broadcast_in_dim3A_90 = arith.constant 1.000000e+00 : f32
      %broadcast_in_dim3A_91 = vector.broadcast %broadcast_in_dim3A_90 : f32 to vector<16xf32>
      %swap3A_92 = arith.index_cast %scan3A_49 : i32 to index
      %swap3A_93 = arith.constant 96 : index
      %swap3A_94 = tpu.vector_load %arg5[%swap3A_92, %swap3A_93] {strides = array<i32>} : memref<128x128xf32, #tpu.memory_space<vmem>>, vector<1x16xf32>,
      %swap3A_95 = vector.shape_cast %swap3A_94 : vector<1x16xf32> to vector<16xf32>
      %swap3A_96 = vector.shape_cast %broadcast_in_dim3A_91 : vector<16xf32> to vector<1x16xf32>
      tpu.vector_store %arg5[%swap3A_92, %swap3A_93], %swap3A_96 {strides = array<i32>} : memref<128x128xf32, #tpu.memory_space<vmem>>, vector<1x16xf32>,
      %broadcast_in_dim3A_97 = arith.constant 1.000000e+00 : f32
      %broadcast_in_dim3A_98 = vector.broadcast %broadcast_in_dim3A_97 : f32 to vector<16xf32>
      %swap3A_99 = arith.index_cast %scan3A_49 : i32 to index
      %swap3A_100 = arith.constant 112 : index
      %swap3A_101 = tpu.vector_load %arg5[%swap3A_99, %swap3A_100] {strides = array<i32>} : memref<128x128xf32, #tpu.memory_space<vmem>>, vector<1x16xf32>,
      %swap3A_102 = vector.shape_cast %swap3A_101 : vector<1x16xf32> to vector<16xf32>
      %swap3A_103 = vector.shape_cast %broadcast_in_dim3A_98 : vector<16xf32> to vector<1x16xf32>
      tpu.vector_store %arg5[%swap3A_99, %swap3A_100], %swap3A_103 {strides = array<i32>} : memref<128x128xf32, #tpu.memory_space<vmem>>, vector<1x16xf32>,
    }
    %scan3A_31 = arith.constant 128 : i32
    %barrier3A = arith.constant 0 : index
    tpu.barrier barrier_id(%barrier3A)
    %scan3A_32 = arith.constant 0 : i32
    %scan3A_33 = arith.constant 0 : i32
    %scan3A_34 = arith.constant 80 : i32
    %scan3A_35 = arith.addi %scan3A_33, %scan3A_34 : i32
    %scan3A_36 = arith.constant 1 : i32
    scf.for %scan3A_49 = %scan3A_33 to %scan3A_35 step %scan3A_36  : i32 {
      %dma_start3A = arith.constant 0 : i32
      %dma_start3A_50 = tpu.memref_slice %arg4[%scan3A_49, %dma_start3A] : memref<80x128xi32, #tpu.memory_space<vmem>> -> memref<1x128xi32, #tpu.memory_space<vmem>>
      %dma_start3A_51 = tpu.memref_squeeze %dma_start3A_50 : memref<1x128xi32, #tpu.memory_space<vmem>> -> memref<128xi32, #tpu.memory_space<vmem>>
      %dma_start3A_52 = arith.constant 0 : i32
      %dma_start3A_53 = arith.constant 0 : i32
      %dma_start3A_54 = tpu.memref_slice %arg6[%dma_start3A_52, %dma_start3A_53] : memref<10240x128xf32, #tpu.memory_space<vmem_shared>> -> memref<10240x128xf32, #tpu.memory_space<vmem_shared>>
      tpu.enqueue_indirect_dma source(%arg5 : memref<128x128xf32, #tpu.memory_space<vmem>>) target(%dma_start3A_54 : memref<10240x128xf32, #tpu.memory_space<vmem_shared>>) offsets(%dma_start3A_51 : memref<128xi32, #tpu.memory_space<vmem>>) semaphore(%arg7 : memref<!tpu.dma_semaphore, #tpu.memory_space<semaphore_mem>>) {add = true}
    }
    %scan3A_37 = arith.constant 80 : i32
    %scan3A_38 = arith.constant 0 : i32
    %scan3A_39 = arith.constant 0 : i32
    %scan3A_40 = arith.constant 80 : i32
    %scan3A_41 = arith.addi %scan3A_39, %scan3A_40 : i32
    %scan3A_42 = arith.constant 1 : i32
    scf.for %scan3A_49 = %scan3A_39 to %scan3A_41 step %scan3A_42  : i32 {
      %dma_wait3A = arith.constant 0 : i32
      %dma_wait3A_50 = tpu.memref_slice %arg4[%scan3A_49, %dma_wait3A] : memref<80x128xi32, #tpu.memory_space<vmem>> -> memref<1x128xi32, #tpu.memory_space<vmem>>
      %dma_wait3A_51 = tpu.memref_squeeze %dma_wait3A_50 : memref<1x128xi32, #tpu.memory_space<vmem>> -> memref<128xi32, #tpu.memory_space<vmem>>
      %dma_wait3A_52 = arith.constant 0 : i32
      %dma_wait3A_53 = arith.constant 0 : i32
      %dma_wait3A_54 = tpu.memref_slice %arg6[%dma_wait3A_52, %dma_wait3A_53] : memref<10240x128xf32, #tpu.memory_space<vmem_shared>> -> memref<10240x128xf32, #tpu.memory_space<vmem_shared>>
      tpu.wait_indirect_dma semaphore(%arg7 : memref<!tpu.dma_semaphore, #tpu.memory_space<semaphore_mem>>) src(%arg5 : memref<128x128xf32, #tpu.memory_space<vmem>>) dst(%dma_wait3A_54 : memref<10240x128xf32, #tpu.memory_space<vmem_shared>>)
    }
    %scan3A_43 = arith.constant 80 : i32
    %barrier3A_44 = arith.constant 0 : index
    tpu.barrier barrier_id(%barrier3A_44)
    %mul3A_45 = arith.constant 640 : i32
    %mul3A_46 = arith.muli %arg1, %mul3A_45 : i32
    %mul3A_47 = arith.constant 640 : i32
    %mul3A_48 = arith.muli %arg1, %mul3A_47 : i32
    "tpu.region"() ({
      %run_scoped3A = tpu.sem_alloc : memref<!tpu.dma_semaphore, #tpu.memory_space<semaphore_mem>>
      %dma_start3A = arith.constant 0 : i32
      %dma_start3A_49 = tpu.memref_slice %arg3[%arg0, %mul3A_48, %dma_start3A] : memref<2x10240x128xf32, #tpu.memory_space<hbm>> -> memref<1x640x128xf32, #tpu.memory_space<hbm>>
      %dma_start3A_50 = tpu.memref_squeeze %dma_start3A_49 : memref<1x640x128xf32, #tpu.memory_space<hbm>> -> memref<640x128xf32, #tpu.memory_space<hbm>>
      %dma_start3A_51 = arith.constant 0 : i32
      %dma_start3A_52 = tpu.memref_slice %arg6[%mul3A_46, %dma_start3A_51] : memref<10240x128xf32, #tpu.memory_space<vmem_shared>> -> memref<640x128xf32, #tpu.memory_space<vmem_shared>>
      tpu.enqueue_dma source(%dma_start3A_52 : memref<640x128xf32, #tpu.memory_space<vmem_shared>>) target(%dma_start3A_50 : memref<640x128xf32, #tpu.memory_space<hbm>>) target_semaphore(%run_scoped3A : memref<!tpu.dma_semaphore, #tpu.memory_space<semaphore_mem>>)
      %dma_wait3A = arith.constant 0 : i32
      %dma_wait3A_53 = tpu.memref_slice %arg3[%arg0, %mul3A_48, %dma_wait3A] : memref<2x10240x128xf32, #tpu.memory_space<hbm>> -> memref<1x640x128xf32, #tpu.memory_space<hbm>>
      %dma_wait3A_54 = tpu.memref_squeeze %dma_wait3A_53 : memref<1x640x128xf32, #tpu.memory_space<hbm>> -> memref<640x128xf32, #tpu.memory_space<hbm>>
      %dma_wait3A_55 = arith.constant 0 : i32
      %dma_wait3A_56 = tpu.memref_slice %arg6[%mul3A_46, %dma_wait3A_55] : memref<10240x128xf32, #tpu.memory_space<vmem_shared>> -> memref<640x128xf32, #tpu.memory_space<vmem_shared>>
      tpu.wait_dma2 semaphore(%run_scoped3A : memref<!tpu.dma_semaphore, #tpu.memory_space<semaphore_mem>>) src(%dma_wait3A_56 : memref<640x128xf32, #tpu.memory_space<vmem_shared>>) dst(%dma_wait3A_54 : memref<640x128xf32, #tpu.memory_space<hbm>>)
      tpu.yield
    }) : () -> ()
    return
  }
}

module attributes {stable_mosaic.version = 14 : i64} {
  func.func @_mm_body(%arg0: i32, %arg1: memref<2x1000x128xf32, #tpu.memory_space<vmem>>, %arg2: memref<1000x128xf32, #tpu.memory_space<vmem>>, %arg3: memref<128x128xf32, #tpu.memory_space<vmem>>, %arg4: memref<1000x128xf32, #tpu.memory_space<vmem>>, %arg5: memref<1000x1xf32, #tpu.memory_space<vmem>>) attributes {dimension_semantics = [#tpu.dimension_semantics<arbitrary>], iteration_bounds = array<i64: 10>, scalar_prefetch = 0 : i64, scratch_operands = 0 : i64, tpu.core_type = #tpu.core_type<tc>, window_params = [{transform_indices = @transform_0, window_bounds = array<i64: 2, 1000, 128>}, {transform_indices = @transform_1, window_bounds = array<i64: 1000, 128>}, {pipeline_mode = #tpu.pipeline_mode<synchronous>, transform_indices = @transform_2, window_bounds = array<i64: 128, 128>}, {transform_indices = @transform_3, window_bounds = array<i64: 1000, 128>}, {transform_indices = @transform_4, window_bounds = array<i64: 1000, 1>}]} {
    %get3A = arith.constant 0 : index
    %get3A_0 = arith.constant 0 : index
    %get3A_1 = arith.constant 0 : index
    %get3A_2 = vector.load %arg1[%get3A, %get3A_0, %get3A_1] : memref<2x1000x128xf32, #tpu.memory_space<vmem>>, vector<2x1000x128xf32>
    %slice3A = vector.extract_strided_slice %get3A_2 {offsets = [0, 0, 0], sizes = [1, 1000, 1], strides = [1, 1, 1]} : vector<2x1000x128xf32> to vector<1x1000x1xf32>
    %squeeze3A = vector.shape_cast %slice3A : vector<1x1000x1xf32> to vector<1000x1xf32>
    %slice3A_3 = vector.extract_strided_slice %get3A_2 {offsets = [1, 0, 0], sizes = [1, 1000, 1], strides = [1, 1, 1]} : vector<2x1000x128xf32> to vector<1x1000x1xf32>
    %squeeze3A_4 = vector.shape_cast %slice3A_3 : vector<1x1000x1xf32> to vector<1000x1xf32>
    %add3A = arith.addf %squeeze3A, %squeeze3A_4 : vector<1000x1xf32>
    %add3A_5 = arith.constant 1.000000e+00 : f32
    %add3A_6 = vector.broadcast %add3A_5 : f32 to vector<1000x1xf32>
    %add3A_7 = arith.addf %add3A, %add3A_6 : vector<1000x1xf32>
    %rsqrt3A = math.rsqrt %add3A_7 : vector<1000x1xf32>
    %get3A_8 = arith.constant 0 : index
    %get3A_9 = arith.constant 0 : index
    %get3A_10 = vector.load %arg2[%get3A_8, %get3A_9] : memref<1000x128xf32, #tpu.memory_space<vmem>>, vector<1000x128xf32>
    %get3A_11 = arith.constant 0 : index
    %get3A_12 = arith.constant 0 : index
    %get3A_13 = vector.load %arg3[%get3A_11, %get3A_12] : memref<128x128xf32, #tpu.memory_space<vmem>>, vector<128x128xf32>
    %dot_general3A = arith.constant dense<0.000000e+00> : vector<1000x128xf32>
    %dot_general3A_14 = tpu.matmul %get3A_10, %get3A_13, %dot_general3A {dimension_numbers = #tpu.dot_dimension_numbers<[1], [0], [0], [1], [0, 0, 1, 1], [], []>, transpose_lhs_hint = false} : vector<1000x128xf32>, vector<128x128xf32>, vector<1000x128xf32> -> vector<1000x128xf32>
    %mul3A = vector.broadcast %rsqrt3A : vector<1000x1xf32> to vector<1000x128xf32>
    %mul3A_15 = arith.mulf %dot_general3A_14, %mul3A : vector<1000x128xf32>
    %swap3A = arith.constant 0 : index
    %swap3A_16 = arith.constant 0 : index
    %swap3A_17 = vector.load %arg4[%swap3A, %swap3A_16] : memref<1000x128xf32, #tpu.memory_space<vmem>>, vector<1000x128xf32>
    tpu.vector_store %arg4[%swap3A, %swap3A_16], %mul3A_15 {strides = array<i32>} : memref<1000x128xf32, #tpu.memory_space<vmem>>, vector<1000x128xf32>,
    %swap3A_18 = arith.constant 0 : index
    %swap3A_19 = arith.constant 0 : index
    %swap3A_20 = vector.load %arg5[%swap3A_18, %swap3A_19] : memref<1000x1xf32, #tpu.memory_space<vmem>>, vector<1000x1xf32>
    tpu.vector_store %arg5[%swap3A_18, %swap3A_19], %rsqrt3A {strides = array<i32>} : memref<1000x1xf32, #tpu.memory_space<vmem>>, vector<1000x1xf32>,
    return
  }
  func.func @transform_0(%arg0: i32) -> (i32, i32, i32) {
    %c0_i32 = arith.constant 0 : i32
    %c0_i32_0 = arith.constant 0 : i32
    %c0_i32_1 = arith.constant 0 : i32
    return %c0_i32, %arg0, %c0_i32_0 : i32, i32, i32
  }
  func.func @transform_1(%arg0: i32) -> (i32, i32) {
    %c0_i32 = arith.constant 0 : i32
    %c0_i32_0 = arith.constant 0 : i32
    return %arg0, %c0_i32 : i32, i32
  }
  func.func @transform_2(%arg0: i32) -> (i32, i32) {
    %c0_i32 = arith.constant 0 : i32
    %c0_i32_0 = arith.constant 0 : i32
    %c0_i32_1 = arith.constant 0 : i32
    return %c0_i32, %c0_i32_0 : i32, i32
  }
  func.func @transform_3(%arg0: i32) -> (i32, i32) {
    %c0_i32 = arith.constant 0 : i32
    %c0_i32_0 = arith.constant 0 : i32
    return %arg0, %c0_i32 : i32, i32
  }
  func.func @transform_4(%arg0: i32) -> (i32, i32) {
    %c0_i32 = arith.constant 0 : i32
    %c0_i32_0 = arith.constant 0 : i32
    return %arg0, %c0_i32 : i32, i32
  }
}

module attributes {stable_mosaic.version = 14 : i64} {
  func.func @_out_body(%arg0: i32, %arg1: memref<2x1000x128xf32, #tpu.memory_space<vmem>>, %arg2: memref<1000x128xf32, #tpu.memory_space<vmem>>, %arg3: memref<1000x1xf32, #tpu.memory_space<vmem>>, %arg4: memref<1x128xf32, #tpu.memory_space<vmem>>, %arg5: memref<1x1xf32, #tpu.memory_space<vmem>>, %arg6: memref<1000x128xf32, #tpu.memory_space<vmem>>) attributes {dimension_semantics = [#tpu.dimension_semantics<arbitrary>], iteration_bounds = array<i64: 10>, scalar_prefetch = 0 : i64, scratch_operands = 0 : i64, tpu.core_type = #tpu.core_type<tc>, window_params = [{transform_indices = @transform_0, window_bounds = array<i64: 2, 1000, 128>}, {transform_indices = @transform_1, window_bounds = array<i64: 1000, 128>}, {transform_indices = @transform_2, window_bounds = array<i64: 1000, 1>}, {pipeline_mode = #tpu.pipeline_mode<synchronous>, transform_indices = @transform_3, window_bounds = array<i64: 1, 128>}, {pipeline_mode = #tpu.pipeline_mode<synchronous>, transform_indices = @transform_4, window_bounds = array<i64: 1, 1>}, {transform_indices = @transform_5, window_bounds = array<i64: 1000, 128>}]} {
    %get3A = arith.constant 0 : index
    %get3A_0 = arith.constant 0 : index
    %get3A_1 = arith.constant 0 : index
    %get3A_2 = vector.load %arg1[%get3A, %get3A_0, %get3A_1] : memref<2x1000x128xf32, #tpu.memory_space<vmem>>, vector<2x1000x128xf32>
    %slice3A = vector.extract_strided_slice %get3A_2 {offsets = [0, 0, 0], sizes = [1, 1000, 128], strides = [1, 1, 1]} : vector<2x1000x128xf32> to vector<1x1000x128xf32>
    %squeeze3A = vector.shape_cast %slice3A : vector<1x1000x128xf32> to vector<1000x128xf32>
    %slice3A_3 = vector.extract_strided_slice %get3A_2 {offsets = [1, 0, 0], sizes = [1, 1000, 128], strides = [1, 1, 1]} : vector<2x1000x128xf32> to vector<1x1000x128xf32>
    %squeeze3A_4 = vector.shape_cast %slice3A_3 : vector<1x1000x128xf32> to vector<1000x128xf32>
    %add3A = arith.addf %squeeze3A, %squeeze3A_4 : vector<1000x128xf32>
    %get3A_5 = arith.constant 0 : index
    %get3A_6 = arith.constant 0 : index
    %get3A_7 = vector.load %arg2[%get3A_5, %get3A_6] : memref<1000x128xf32, #tpu.memory_space<vmem>>, vector<1000x128xf32>
    %add3A_8 = arith.addf %add3A, %get3A_7 : vector<1000x128xf32>
    %get3A_9 = arith.constant 0 : index
    %get3A_10 = arith.constant 0 : index
    %get3A_11 = vector.load %arg3[%get3A_9, %get3A_10] : memref<1000x1xf32, #tpu.memory_space<vmem>>, vector<1000x1xf32>
    %mul3A = vector.broadcast %get3A_11 : vector<1000x1xf32> to vector<1000x128xf32>
    %mul3A_12 = arith.mulf %add3A_8, %mul3A : vector<1000x128xf32>
    %get3A_13 = arith.constant 0 : index
    %get3A_14 = arith.constant 0 : index
    %get3A_15 = vector.load %arg4[%get3A_13, %get3A_14] : memref<1x128xf32, #tpu.memory_space<vmem>>, vector<1x128xf32>
    %add3A_16 = vector.broadcast %get3A_15 : vector<1x128xf32> to vector<1000x128xf32>
    %add3A_17 = arith.addf %mul3A_12, %add3A_16 : vector<1000x128xf32>
    %ge3A = arith.constant 0.000000e+00 : f32
    %ge3A_18 = vector.broadcast %ge3A : f32 to vector<1000x128xf32>
    %ge3A_19 = arith.cmpf oge, %add3A_17, %ge3A_18 : vector<1000x128xf32>
    %get3A_20 = arith.constant 0 : index
    %get3A_21 = arith.constant 0 : index
    %get3A_22 = vector.load %arg5[%get3A_20, %get3A_21] : memref<1x1xf32, #tpu.memory_space<vmem>>, vector<1x1xf32>
    %mul3A_23 = vector.broadcast %get3A_22 : vector<1x1xf32> to vector<1000x128xf32>
    %mul3A_24 = arith.mulf %mul3A_23, %add3A_17 : vector<1000x128xf32>
    %select_n3A = arith.select %ge3A_19, %add3A_17, %mul3A_24 : vector<1000x128xi1>, vector<1000x128xf32>
    %swap3A = arith.constant 0 : index
    %swap3A_25 = arith.constant 0 : index
    %swap3A_26 = vector.load %arg6[%swap3A, %swap3A_25] : memref<1000x128xf32, #tpu.memory_space<vmem>>, vector<1000x128xf32>
    tpu.vector_store %arg6[%swap3A, %swap3A_25], %select_n3A {strides = array<i32>} : memref<1000x128xf32, #tpu.memory_space<vmem>>, vector<1000x128xf32>,
    return
  }
  func.func @transform_0(%arg0: i32) -> (i32, i32, i32) {
    %c0_i32 = arith.constant 0 : i32
    %c0_i32_0 = arith.constant 0 : i32
    %c0_i32_1 = arith.constant 0 : i32
    return %c0_i32, %arg0, %c0_i32_0 : i32, i32, i32
  }
  func.func @transform_1(%arg0: i32) -> (i32, i32) {
    %c0_i32 = arith.constant 0 : i32
    %c0_i32_0 = arith.constant 0 : i32
    return %arg0, %c0_i32 : i32, i32
  }
  func.func @transform_2(%arg0: i32) -> (i32, i32) {
    %c0_i32 = arith.constant 0 : i32
    %c0_i32_0 = arith.constant 0 : i32
    return %arg0, %c0_i32 : i32, i32
  }
  func.func @transform_3(%arg0: i32) -> (i32, i32) {
    %c0_i32 = arith.constant 0 : i32
    %c0_i32_0 = arith.constant 0 : i32
    %c0_i32_1 = arith.constant 0 : i32
    return %c0_i32, %c0_i32_0 : i32, i32
  }
  func.func @transform_4(%arg0: i32) -> (i32, i32) {
    %c0_i32 = arith.constant 0 : i32
    %c0_i32_0 = arith.constant 0 : i32
    %c0_i32_1 = arith.constant 0 : i32
    return %c0_i32, %c0_i32_0 : i32, i32
  }
  func.func @transform_5(%arg0: i32) -> (i32, i32) {
    %c0_i32 = arith.constant 0 : i32
    %c0_i32_0 = arith.constant 0 : i32
    return %arg0, %c0_i32 : i32, i32
  }
}

</mosaic_0001>

<sc_bundles>
// kernel: kernel.6.cloned.1.call-start
scs
__scs_entry_jumppad:
0x0: {  	(pc) =	sbr.rel $0x88, $3  }
0x1: {  	(tag) =	ssettag $0x0;
	lr =	simm.s32 $0x1  }
0x2: {  	[smem:$0x3F9C] =	sst lr;
	_ =	strace $0xD0000000  }
0x3: {  	_ = 	snop  }
0x4: {  	_ = 	snop  }
0x5: {  	_ = 	snop  }
0x6: {  	_ = 	snop  }
0x7: {  	_ = 	snop  }
__scs_overlays_trampoline_lowered:
0x8: {  	[smem:$0x3FAB] =	sst s0  }
0x9: {  	[smem:$0x3FAC] =	sst s1  }
0xa: {  	[smem:$0x3FAD] =	sst s2  }
0xb: {  	[smem:$0x3FAE] =	sst s3  }
0xc: {  	[smem:$0x3FAF] =	sst s4  }
0xd: {  	[smem:$0x3FB0] =	sst s5  }
0xe: {  	[smem:$0x3FB1] =	sst s6  }
0xf: {  	[smem:$0x3FB2] =	sst s7  }
0x10: {  	[smem:$0x3FB3] =	sst s8  }
0x11: {  	[smem:$0x3FB4] =	sst s9;
	s0 =	simm.s32 @!p0 $0x0  }
0x12: {  	s1 =	sld [smem:$0x3F9A];
	s0 =	simm.s32 @p0 $0x1  }
0x13: {  	[smem:$0x3FB5] =	sst s0;
	s0 =	simm.s32 @!p1 $0x0  }
0x14: {  	s2 =	sld [smem:$0x3F99];
	s0 =	simm.s32 @p1 $0x1  }
0x15: {  	[smem:$0x3FB6] =	sst s0;
	s0 =	simm.s32 @!p2 $0x0  }
0x16: {  	s3 =	sld [smem:$0x3FDB];
	s0 =	simm.s32 @p2 $0x1  }
0x17: {  	s4 =	simm.s32 $0x1BF5;
	[smem:$0x3FB8] =	sst s0  }
0x18: {  	s0 =	sld [smem:$0x3F9B];
	_ =	swait.ge [sflag:s4], $0x0  }
0x19: {  	s7 =	sld [smem:$0x3F9C]  }
0x1a: {  	s8 =	sadd.s32 $0xFFFFE003, lr  }
0x1b: {  	s9 =	sadd.s32 $0xFFFFFEF7, lr;
	s5 =	simm.s32 $0xFFFFFFFF;
	p2 =	slt.u32 s8, $0xFFFFF086  }
0x1c: {  	p1 =	slt.u32 s9, $0xF7A;
	s5 =	simm.s32 @!p2 $0x0  }
0x1d: {  	s5 =	simm.s32 @p1 $0x1;
	p0 =	seq.s32 s7, s2  }
0x1e: {  	s7 =	smul.u32 @!p0 $0xF7A, s2;
	p2 =	seq.s32 @!p0 s5, $0x0  }
0x1f: {  	s9 =	smul.u32 $0xF7A, s1;
	s8 =	simm.s32 @!p0 $0x1BF5;
	p2 =	por !p2, p0  }
0x20: {  	[sflag:s8] =	ssyncset.s32 @!p0 $0xFFFFF086;
	s6 =	sadd.s32 @!p0 s3, s7;
	s7 =	simm.s32 @!p0 $0x108  }
0x21: {  	s3 =	sadd.s32 s3, s9;
	s6 =	sadd.s32 @!p0 $0x88, s6;
	s7 =	simm.s32 @p2 $0x1082  }
0x22: {  	[simem:s7], [sflag:s8] =	dma.local @!p0 [hbm:s6], $0xF7A  }
0x23: {  	s9 =	sor.u32 $0xD0000000, s2;
	s6 =	simm.s32 $0x108;
	_ =	swait.ge @!p0 [sflag:s8], $0x0  }
0x24: {  	s3 =	sadd.s32 $0x88, s3;
	s6 =	simm.s32 @!p1 $0x1082;
	[sflag:s4] =	ssyncset.s32 $0xFFFFF086  }
0x25: {  	[simem:s6], [sflag:s4] =	dma.local [hbm:s3], $0xF7A  }
0x26: {  	[smem:$0x3F9C] =	sst s1;
	(tag) =	ssettag s2;
	_ =	strace s9  }
0x27: {  	s1 =	sld [smem:$0x3FAC]  }
0x28: {  	s2 =	sld [smem:$0x3FAD]  }
0x29: {  	s4 =	sld [smem:$0x3FAF]  }
0x2a: {  	p0 =	seq.s32 s5, $0x0;
	s5 =	sld [smem:$0x3FB0]  }
0x2b: {  	s6 =	sld [smem:$0x3FB1]  }
0x2c: {  	s7 =	sld [smem:$0x3FB2]  }
0x2d: {  	s3 =	simm.s32 $0x108;
	s8 =	sld [smem:$0x3FB3]  }
0x2e: {  	s3 =	simm.s32 @!p0 $0x1082;
	s9 =	sld [smem:$0x3FB4]  }
0x2f: {  	lr =	sadd.s32 s0, s3;
	s0 =	sld [smem:$0x3FAB]  }
0x30: {  	s3 =	sld [smem:$0x3FAE]  }
0x31: {  	[smem:$0x3FB7] =	sst s10  }
0x32: {  	s10 =	sld [smem:$0x3FB5];
	_ =	sdelay $0x3  }
0x33: {  	p0 =	seq.s32 s10, $0x1;
	s10 =	sld [smem:$0x3FB7];
	_ =	sdelay $0x3  }
0x34: {  	[smem:$0x3FB7] =	sst s10  }
0x35: {  	s10 =	sld [smem:$0x3FB6];
	_ =	sdelay $0x3  }
0x36: {  	p1 =	seq.s32 s10, $0x1;
	s10 =	sld [smem:$0x3FB7];
	_ =	sdelay $0x3  }
0x37: {  	[smem:$0x3FB7] =	sst s10  }
0x38: {  	s10 =	sld [smem:$0x3FB8]  }
0x39: {  	_ = 	snop;
	(pc) =	sbr.ind lr, $3  }
0x3a: {  	_ = 	snop  }
0x3b: {  	_ = 	snop  }
0x3c: {  	p2 =	seq.s32 s10, $0x1;
	s10 =	sld [smem:$0x3FB7]  }
0x3d: {  	_ =	shalt  }
0x3e: {  	_ =	shalt  }
0x3f: {  	_ =	shalt  }
0x40: {  	_ =	shalt  }
0x41: {  	_ =	shalt  }
0x42: {  	_ =	shalt  }
0x43: {  	_ =	shalt  }
0x44: {  	_ =	shalt  }
0x45: {  	_ =	shalt  }
0x46: {  	_ =	shalt  }
0x47: {  	_ =	shalt  }
0x48: {  	_ =	shalt  }
0x49: {  	_ =	shalt  }
0x4a: {  	_ =	shalt  }
0x4b: {  	_ =	shalt  }
0x4c: {  	_ =	shalt  }
0x4d: {  	_ =	shalt  }
0x4e: {  	_ =	shalt  }
0x4f: {  	_ =	shalt  }
0x50: {  	_ =	shalt  }
0x51: {  	_ =	shalt  }
0x52: {  	_ =	shalt  }
0x53: {  	_ =	shalt  }
0x54: {  	_ =	shalt  }
0x55: {  	_ =	shalt  }
0x56: {  	_ =	shalt  }
0x57: {  	_ =	shalt  }
0x58: {  	_ =	shalt  }
0x59: {  	_ =	shalt  }
0x5a: {  	_ =	shalt  }
0x5b: {  	_ =	shalt  }
0x5c: {  	_ =	shalt  }
0x5d: {  	_ =	shalt  }
0x5e: {  	_ =	shalt  }
0x5f: {  	_ =	shalt  }
0x60: {  	_ =	shalt  }
0x61: {  	_ =	shalt  }
0x62: {  	_ =	shalt  }
0x63: {  	_ =	shalt  }
0x64: {  	_ =	shalt  }
0x65: {  	_ =	shalt  }
0x66: {  	_ =	shalt  }
0x67: {  	_ =	shalt  }
0x68: {  	_ =	shalt  }
0x69: {  	_ =	shalt  }
0x6a: {  	_ =	shalt  }
0x6b: {  	_ =	shalt  }
0x6c: {  	_ =	shalt  }
0x6d: {  	_ =	shalt  }
0x6e: {  	_ =	shalt  }
0x6f: {  	_ =	shalt  }
0x70: {  	_ =	shalt  }
0x71: {  	_ =	shalt  }
0x72: {  	_ =	shalt  }
0x73: {  	_ =	shalt  }
0x74: {  	_ =	shalt  }
0x75: {  	_ =	shalt  }
0x76: {  	_ =	shalt  }
0x77: {  	_ =	shalt  }
0x78: {  	_ =	shalt  }
0x79: {  	_ =	shalt  }
0x7a: {  	_ =	shalt  }
0x7b: {  	_ =	shalt  }
0x7c: {  	_ =	shalt  }
0x7d: {  	_ =	shalt  }
0x7e: {  	_ =	shalt  }
0x7f: {  	_ =	shalt  }
0x80: {  	_ =	shalt  }
0x81: {  	_ =	shalt  }
0x82: {  	_ =	shalt  }
0x83: {  	_ =	shalt  }
0x84: {  	_ =	shalt  }
0x85: {  	_ =	shalt  }
0x86: {  	_ =	shalt  }
0x87: {  	_ =	shalt  }
.Lfunc_end0:
.L_simem_size_0:
called_computation_lowered:
.L_overlay_start_0:
0x88: {  	s2 =	sld [smem:$0x3FD9]  }
0x89: {  	s3 =	sld [smem:$0x3FFE];
	_ =	sdelay $0x1  }
0x8a: {  	s1 =	srdreg.scid  }
0x8b: {  	s0 =	sand.u32 $0x1, s1  }
0x8c: {  	s16 =	sshll.u32 s0, $0xA;
	s2 =	sadd.s32 s3, s2  }
0x8d: {  	s2 =	sadd.s32 s2, s16  }
0x8e: {  	[smem:$0x3FC3] =	sst s2  }
0x8f: {  	_ = 	snop  }
0x90: {  	(tm) =	ssettm $0x1  }
0x91: {  	s17 =	sld [smem:$0x3FFB];
	_ =	sdelay $0x3  }
0x92: {  	_ =	strace s17  }
0x93: {  	s2 =	sld [smem:$0x3FFC];
	_ =	sdelay $0x3  }
0x94: {  	_ =	strace s2  }
0x95: {  	s2 =	sld [smem:$0x3FFD];
	_ =	sdelay $0x3  }
0x96: {  	_ =	strace s2  }
0x97: {  	_ =	strace $0x8FFFFFFF  }
0x98: {  	s18 =	sld [smem:$0x3FDB];
	_ =	sdelay $0x1  }
0x99: {  	s19 =	simm.s32 $_scs_section_size  }
0x9a: {  	s4 =	simm.s32 $_size__tile_overlayer_lowered;
	s5 =	simm.s32 $_tile_overlayer_lowered  }
0x9b: {  	s22 =	simm.s32 $0x1BFF;
	s21 =	sshll.u32 s5, $0x1;
	s2 =	sadd.s32 s19, s18  }
0x9c: {  	s6 =	simm.s32 $0x0;
	s20 =	sshll.u32 s4, $0x1;
	s4 =	sadd.s32 s21, s2  }
0x9d: {  	[timem:s6], [sflag:s22] =	dma.local [hbm:s4], s20  }
0x9e: {  	_ =	swait.ge [sflag:s22], s20  }
0x9f: {  	s3 =	ssub.s32 $0x0, s20;
	[sflag:s22] =	ssyncset.done $0x0  }
0xa0: {  	[sflag:s22] =	ssyncadd.s32 s3;
	_ =	sdelay $0x1  }
0xa1: {  	s23 =	simm.s32 $0x1B8B  }
0xa2: {  	_ =	swait.ge [sflag:s23], $0x1  }
0xa3: {  	[sflag:s23] =	ssyncset.done $0x0  }
0xa4: {  	s25 =	simm.s32 $0x1B8E;
	s24 =	sld [smem:$0x3FFE];
	[sflag:s23] =	ssyncadd.s32 $0xFFFFFFFF  }
0xa5: {  	s26 =	simm.s32 $execute0_lowered;
	[smem:$0x3FD2] =	sst s25  }
0xa6: {  	s4 =	sshll.u32 s26, $0x1;
	_ =	strace $0x80000046;
	[dreg:$0x1] =	wrdreg $0xFFFFFFFF  }
0xa7: {  	s28 =	simm.s32 $_size_execute0_lowered;
	s2 =	sadd.s32 s2, s4;
	[dreg:$0x0] =	wrdreg $0x0  }
0xa8: {  	s4 =	sshll.u32 s28, $0x1;
	[dreg:$0x2] =	wrdreg s2  }
0xa9: {  	[dreg:$0x3] =	wrdreg s4  }
0xaa: {  	[dreg:$0x4] =	wrdreg $0xC0  }
0xab: {  	_ =	task [dreg:s6], $0x5FFFF  }
0xac: {  	[dreg:$0x1] =	wrdreg $0xFFFFFFFF  }
0xad: {  	[dreg:$0x0] =	wrdreg $0x60  }
0xae: {  	[dreg:$0x2] =	wrdreg s24  }
0xaf: {  	[dreg:$0x3] =	wrdreg $0x68000  }
0xb0: {  	[dreg:$0x4] =	wrdreg $0x9  }
0xb1: {  	_ =	task.clear_ibuf [dreg:s6], $0x5FFFF;
	_ =	strace $0x90000046  }
0xb2: {  	s29 =	simm.s32 $0x9;
	_ =	strace $0x80000048  }
0xb3: {  	_ =	swait.ge [sflag:s29], $0x1  }
0xb4: {  	[sflag:s29] =	ssyncadd.s32 $0xFFFFFFFF  }
0xb5: {  	_ =	strace $0x90000048  }
0xb6: {  	_ =	sfence  }
0xb7: {  	s30 =	sld [smem:$0x0];
	_ =	sdelay $0x2  }
0xb8: {  	s31 =	sshll.u32 s1, $0xD;
	s1 =	sshrl.u32 s1, $0x2  }
0xb9: {  	s3 =	sand.u32 $0x4000, s31;
	s1 =	sadd.s32 s1, s30  }
0xba: {  	s0 =	sor.u32 s3, s0;
	s1 =	sshll.u32 s1, $0x11  }
0xbb: {  	s0 =	sor.u32 s1, s0  }
0xbc: {  	s0 =	sadd.s32 $0x8F2B, s0  }
0xbd: {  	[sflag:s0] =	ssyncadd.remote.s32 $0x1  }
0xbe: {  	_ =	sfence.sel $0xFFFF  }
0xbf: {  	[dreg:$0x0] =	wrdreg $0xFFFFFFFF;
	(pc) =	sbr.abs _section_cstart, $3  }
0xc0: {  	[dreg:$0x1] =	wrdreg $0xFFFFFFFF  }
0xc1: {  	_ =	task.clear_ibuf [dreg:s6], $0x2FFFF;
	_ =	strace $0x9FFFFFFF  }
0xc2: {  	(tm) =	ssettm $0x7FFFFFFF  }
0xc3: {  	_ =	shalt  }
tec
execute0_lowered:
.L_overlay_start_1:
0x0: {  	(tag) =	ssettag $0x1  }
0x1: {  	s5 =	rddreg [dreg:$0x0]  }
0x2: {  	s0 =	srdreg.scid;
	s2 =	rddreg [dreg:$0x1]  }
0x3: {  	s3 =	simm.s32 $0x0;
	s12 =	simm.s32 $0x2;
	s13 =	simm.s32 $0x2800  }
0x4: {  	s14 =	simm.s32 $0x80;
	s15 =	simm.s32 $0x1;
	s4 =	sand.u32 $0x1, s0  }
0x5: {  	s18 =	simm.s32 $0x0;
	s0 =	stileid.u32;
	s7 =	smul.u32 $0x140000, s4  }
0x6: {  	[smem:$0x7FF] =	sst s3;
	s1 =	sshll.u32 s4, $0x4;
	s8 =	smul.u32 $0x14000, s0  }
0x7: {  	s9 =	smul.u32 $0x50000, s0;
	s4 =	ssub.s32 $0x2, s4;
	s16 =	sshll.u32 s0, $0x6  }
0x8: {  	s1 =	sor.u32 s0, s1;
	s31 =	sshrl.u32 s4, $0x1;
	s16 =	sor.u32 $0x1C02, s16  }
0x9: {  	s6 =	smul.u32 $0x500, s1;
	s1 =	rddreg [dreg:$0x2];
	_ =	strace $0x80000047  }
0xa: {  	s7 =	sadd.s32 s8, s7;
	s9 =	sshrl.u32 s9, $0x2;
	s11 =	ssub.s32 s4, s31  }
0xb: {  	s7 =	sshrl.u32 s7, $0x3;
	s4 =	sadd.s32 s9, s2;
	s11 =	smax.u32 s11, $0x1  }
0xc: {  	s6 =	sadd.s32 s6, s5;
	s10 =	sadd.s32 s7, s5;
	s7 =	sadd.s32 $0x8000, s4  }
0xd: {  	s8 =	sadd.s32 $0xC000, s4;
	s9 =	sadd.s32 $0x10000, s4;
	s17 =	sshrl.u32 s4, $0x3  }
0xe: {  	v0 =	vimm.f32 $0.0e+00;
	v1 =	vimm.f32 $1.000000000e+00;
	s5 =	sadd.s32 $0x1C00, s6;
	s6 =	sadd.s32 $0x4000, s4;
	s10 =	sadd.s32 $0xBC00, s10  }
.LBB2_1:
0xf: {  	[tilespmem:s3], [sflag:$0x2] =	stream.linear.gather [hbm4b:s5+s3], $0x2800, $0x38;
	[tilespmem:$0x1A800] =	vst v63  }
0x10: {  	_ =	swait.ge [sflag:s12], $0x2800  }
0x11: {  	[sflag:s12] =	ssyncset.done $0x0  }
0x12: {  	s19 =	simm.s32 $0x0;
	s20 =	simm.s32 $0x200;
	[sflag:s12] =	ssyncadd.s32 $0xFFFFD800  }
.LBB2_2:
0x13: {  	p0 =	sne.s32 s20, $0xFE00;
	[tilespmem:s19+$0x2870] =	vst v0  }
0x14: {  	[tilespmem:s19+$0x2800] =	vst v0  }
0x15: {  	[tilespmem:s19+$0x2810] =	vst v0  }
.Ltmp0:
0x16: {  	[tilespmem:s19+$0x2820] =	vst v0;
	(pc) =	sbr.rel @p0 .LBB2_2-.Ltmp0, $4  }
0x17: {  	[tilespmem:s19+$0x2830] =	vst v0  }
0x18: {  	[tilespmem:s19+$0x2840] =	vst v0  }
0x19: {  	[tilespmem:s19+$0x2850] =	vst v0  }
0x1a: {  	[tilespmem:s19+$0x2860] =	vst v0;
	s19 =	sshra.s32 s20, $0x2;
	s20 =	sadd.s32 $0x200, s20  }
0x1b: {  	[tilespmem:s19+$0x2870] =	vst v0  }
0x1c: {  	[tilespmem:s19+$0x2800] =	vst v0  }
0x1d: {  	[tilespmem:s19+$0x2810] =	vst v0  }
0x1e: {  	[tilespmem:s19+$0x2820] =	vst v0  }
0x1f: {  	[tilespmem:s19+$0x2830] =	vst v0  }
0x20: {  	[tilespmem:s19+$0x2840] =	vst v0  }
0x21: {  	[tilespmem:s19+$0x2850] =	vst v0  }
0x22: {  	[tilespmem:s19+$0x2860] =	vst v0  }
0x23: {  	[spmem:s4] =	stream.linear.scatter [tilespmem:s13], [sflag:$0x2], $0x4000, $0x38;
	[tilespmem:$0x1A800] =	vst v63  }
0x24: {  	_ =	swait.ge [sflag:s12], $0x4000  }
0x25: {  	[sflag:s12] =	ssyncset.done $0x0  }
0x26: {  	[sflag:s12] =	ssyncadd.s32 $0xFFFFC000  }
0x27: {  	[spmem:s6] =	stream.linear.scatter [tilespmem:s13], [sflag:$0x2], $0x4000, $0x38;
	[tilespmem:$0x1A800] =	vst v63  }
0x28: {  	_ =	swait.ge [sflag:s12], $0x4000  }
0x29: {  	[sflag:s12] =	ssyncset.done $0x0  }
0x2a: {  	[sflag:s12] =	ssyncadd.s32 $0xFFFFC000  }
0x2b: {  	[spmem:s7] =	stream.linear.scatter [tilespmem:s13], [sflag:$0x2], $0x4000, $0x38;
	[tilespmem:$0x1A800] =	vst v63  }
0x2c: {  	_ =	swait.ge [sflag:s12], $0x4000  }
0x2d: {  	[sflag:s12] =	ssyncset.done $0x0  }
0x2e: {  	[sflag:s12] =	ssyncadd.s32 $0xFFFFC000  }
0x2f: {  	[spmem:s8] =	stream.linear.scatter [tilespmem:s13], [sflag:$0x2], $0x4000, $0x38;
	[tilespmem:$0x1A800] =	vst v63  }
0x30: {  	_ =	swait.ge [sflag:s12], $0x4000  }
0x31: {  	[sflag:s12] =	ssyncset.done $0x0  }
0x32: {  	[sflag:s12] =	ssyncadd.s32 $0xFFFFC000  }
0x33: {  	[spmem:s9] =	stream.linear.scatter [tilespmem:s13], [sflag:$0x2], $0x4000, $0x38;
	[tilespmem:$0x1A800] =	vst v63  }
0x34: {  	_ =	swait.ge [sflag:s12], $0x4000  }
0x35: {  	[sflag:s12] =	ssyncset.done $0x0  }
0x36: {  	s19 =	simm.s32 $0x0;
	s20 =	simm.s32 $0x200;
	[sflag:s12] =	ssyncadd.s32 $0xFFFFC000  }
.LBB2_4:
0x37: {  	p0 =	sne.s32 s20, $0xFE00;
	[tilespmem:s19+$0x2870] =	vst v1  }
0x38: {  	[tilespmem:s19+$0x2800] =	vst v1  }
0x39: {  	[tilespmem:s19+$0x2810] =	vst v1  }
.Ltmp1:
0x3a: {  	[tilespmem:s19+$0x2820] =	vst v1;
	(pc) =	sbr.rel @p0 .LBB2_4-.Ltmp1, $4  }
0x3b: {  	[tilespmem:s19+$0x2830] =	vst v1  }
0x3c: {  	[tilespmem:s19+$0x2840] =	vst v1  }
0x3d: {  	[tilespmem:s19+$0x2850] =	vst v1  }
0x3e: {  	[tilespmem:s19+$0x2860] =	vst v1;
	s19 =	sshra.s32 s20, $0x2;
	s20 =	sadd.s32 $0x200, s20  }
0x3f: {  	[tilespmem:s19+$0x2870] =	vst v1  }
0x40: {  	[tilespmem:s19+$0x2800] =	vst v1  }
0x41: {  	[tilespmem:s19+$0x2810] =	vst v1  }
0x42: {  	[tilespmem:s19+$0x2820] =	vst v1  }
0x43: {  	[tilespmem:s19+$0x2830] =	vst v1  }
0x44: {  	[tilespmem:s19+$0x2840] =	vst v1  }
0x45: {  	[tilespmem:s19+$0x2850] =	vst v1  }
0x46: {  	[tilespmem:s19+$0x2860] =	vst v1  }
0x47: {  	s19 =	simm.s32 $0x0;
	[bflag:$0x0] =	sbarrier.arrive $0xFFFF  }
.LBB2_6:
0x48: {  	p0 =	sne.s32 s19, $0x9E00  }
.Ltmp2:
0x49: {  	_ = 	snop;
	(pc) =	sbr.rel @p0 .LBB2_6-.Ltmp2, $3  }
0x4a: {  	_ =	sdelay $0x1  }
0x4b: {  	s20 =	sshra.s32 s19, $0x2;
	s19 =	sadd.s32 $0x200, s19  }
0x4c: {  	[spmem:s2] =	stream.indirect.scatter.add.f32 [tilespmem:s13], [sflag:$0x1], $0x80, s20, s14, $0xb8;
	[tilespmem:$0x1A800] =	vst v63  }
0x4d: {  	_ =	swait.ge [sflag:s15], $0x4000  }
0x4e: {  	s19 =	simm.s32 $0x4F;
	[sflag:s15] =	ssyncset.done $0x0  }
.LBB2_8:
0x4f: {  	p0 =	sne.s32 s19, $0x1;
	s19 =	sadd.s32 $0xFFFFFFFF, s19;
	[sflag:s15] =	ssyncadd.s32 $0xFFFFC000  }
.Ltmp3:
0x50: {  	(pc) =	sbr.rel @p0 .LBB2_8-.Ltmp3, $3  }
0x51: {  	_ =	sdelay $0x1  }
0x52: {  	_ =	swait.ge [sflag:s15], $0x4000  }
0x53: {  	[sflag:s15] =	ssyncset.done $0x0  }
0x54: {  	s18 =	sadd.s32 $0x1, s18  }
0x55: {  	[sflag:s15] =	ssyncadd.s32 $0xFFFFC000;
	p0 =	sne.s32 s18, s11  }
.Ltmp4:
0x56: {  	[bflag:$0x0] =	sbarrier.arrive $0xFFFF;
	(pc) =	sbr.rel @p0 .LBB2_1-.Ltmp4, $4  }
0x57: {  	[hbm:s10], [sflag:s16] =	dma.local [spmem:s17], $0x2800  }
0x58: {  	_ =	swait.ge [sflag:s12], $0x2800  }
0x59: {  	[sflag:s12] =	ssyncset.done $0x0  }
0x5a: {  	[sflag:s12] =	ssyncadd.s32 $0xFFFFD800  }
0x5b: {  	_ =	sfence.sel $0x180000  }
0x5c: {  	[bflag:$0x0] =	sbarrier.arrive $0xFFFF  }
0x5d: {  	p0 =	sne.s32 s0, $0x0;
	_ =	strace $0x90000047  }
0x5e: {  	s0 =	sadd.s32 @!p0 $0x100000, s1;
	[bflag:$0x2] =	sbarrier.arrive $0xFFFF  }
0x5f: {  	[sflag:s0] =	ssyncadd.tile.s32 @!p0 $0x1;
	_ =	shalt  }
.Lfunc_end2:
_tile_overlayer_lowered:
.L_overlay_start_2:
0x60: {  	(tag) =	ssettag $0x2  }
0x61: {  	s0 =	rddreg [dreg:$0x0];
	s2 =	stileid.u32  }
0x62: {  	s1 =	rddreg [dreg:$0x1];
	p0 =	sne.s32 s2, $0x0  }
0x63: {  	s3 =	rddreg [dreg:$0x2];
	[bflag:$0x3] =	sbarrier.arrive $0xFFFF;
	s2 =	simm.s32 @!p0 $0x1C02  }
0x64: {  	[timem:s3], [sflag:s2] =	dma.local @!p0 [hbm:s0], s1  }
0x65: {  	s0 =	simm.s32 @!p0 $0x2  }
0x66: {  	_ =	swait.ge @!p0 [sflag:s0], s1  }
0x67: {  	s1 =	ssub.s32 @!p0 $0x0, s1;
	[sflag:s0] =	ssyncset.done @!p0 $0x0  }
0x68: {  	[sflag:s0] =	ssyncadd.s32 @!p0 s1  }
0x69: {  	[bflag:$0x3] =	sbarrier.arrive $0xFFFF  }
0x6a: {  	_ =	shalt  }

// kernel: kernel.9.cloned.1.call-start
scs
__scs_entry_jumppad:
0x0: {  	(pc) =	sbr.rel $0x88, $3  }
0x1: {  	(tag) =	ssettag $0x0;
	lr =	simm.s32 $0x1  }
0x2: {  	[smem:$0x3F9C] =	sst lr;
	_ =	strace $0xD0000000  }
0x3: {  	_ = 	snop  }
0x4: {  	_ = 	snop  }
0x5: {  	_ = 	snop  }
0x6: {  	_ = 	snop  }
0x7: {  	_ = 	snop  }
__scs_overlays_trampoline_lowered:
0x8: {  	[smem:$0x3FAB] =	sst s0  }
0x9: {  	[smem:$0x3FAC] =	sst s1  }
0xa: {  	[smem:$0x3FAD] =	sst s2  }
0xb: {  	[smem:$0x3FAE] =	sst s3  }
0xc: {  	[smem:$0x3FAF] =	sst s4  }
0xd: {  	[smem:$0x3FB0] =	sst s5  }
0xe: {  	[smem:$0x3FB1] =	sst s6  }
0xf: {  	[smem:$0x3FB2] =	sst s7  }
0x10: {  	[smem:$0x3FB3] =	sst s8  }
0x11: {  	[smem:$0x3FB4] =	sst s9;
	s0 =	simm.s32 @!p0 $0x0  }
0x12: {  	s1 =	sld [smem:$0x3F9A];
	s0 =	simm.s32 @p0 $0x1  }
0x13: {  	[smem:$0x3FB5] =	sst s0;
	s0 =	simm.s32 @!p1 $0x0  }
0x14: {  	s2 =	sld [smem:$0x3F99];
	s0 =	simm.s32 @p1 $0x1  }
0x15: {  	[smem:$0x3FB6] =	sst s0;
	s0 =	simm.s32 @!p2 $0x0  }
0x16: {  	s3 =	sld [smem:$0x3FDB];
	s0 =	simm.s32 @p2 $0x1  }
0x17: {  	s4 =	simm.s32 $0x1BF5;
	[smem:$0x3FB8] =	sst s0  }
0x18: {  	s0 =	sld [smem:$0x3F9B];
	_ =	swait.ge [sflag:s4], $0x0  }
0x19: {  	s7 =	sld [smem:$0x3F9C]  }
0x1a: {  	s8 =	sadd.s32 $0xFFFFE003, lr  }
0x1b: {  	s9 =	sadd.s32 $0xFFFFFEF7, lr;
	s5 =	simm.s32 $0xFFFFFFFF;
	p2 =	slt.u32 s8, $0xFFFFF086  }
0x1c: {  	p1 =	slt.u32 s9, $0xF7A;
	s5 =	simm.s32 @!p2 $0x0  }
0x1d: {  	s5 =	simm.s32 @p1 $0x1;
	p0 =	seq.s32 s7, s2  }
0x1e: {  	s7 =	smul.u32 @!p0 $0xF7A, s2;
	p2 =	seq.s32 @!p0 s5, $0x0  }
0x1f: {  	s9 =	smul.u32 $0xF7A, s1;
	s8 =	simm.s32 @!p0 $0x1BF5;
	p2 =	por !p2, p0  }
0x20: {  	[sflag:s8] =	ssyncset.s32 @!p0 $0xFFFFF086;
	s6 =	sadd.s32 @!p0 s3, s7;
	s7 =	simm.s32 @!p0 $0x108  }
0x21: {  	s3 =	sadd.s32 s3, s9;
	s6 =	sadd.s32 @!p0 $0x88, s6;
	s7 =	simm.s32 @p2 $0x1082  }
0x22: {  	[simem:s7], [sflag:s8] =	dma.local @!p0 [hbm:s6], $0xF7A  }
0x23: {  	s9 =	sor.u32 $0xD0000000, s2;
	s6 =	simm.s32 $0x108;
	_ =	swait.ge @!p0 [sflag:s8], $0x0  }
0x24: {  	s3 =	sadd.s32 $0x88, s3;
	s6 =	simm.s32 @!p1 $0x1082;
	[sflag:s4] =	ssyncset.s32 $0xFFFFF086  }
0x25: {  	[simem:s6], [sflag:s4] =	dma.local [hbm:s3], $0xF7A  }
0x26: {  	[smem:$0x3F9C] =	sst s1;
	(tag) =	ssettag s2;
	_ =	strace s9  }
0x27: {  	s1 =	sld [smem:$0x3FAC]  }
0x28: {  	s2 =	sld [smem:$0x3FAD]  }
0x29: {  	s4 =	sld [smem:$0x3FAF]  }
0x2a: {  	p0 =	seq.s32 s5, $0x0;
	s5 =	sld [smem:$0x3FB0]  }
0x2b: {  	s6 =	sld [smem:$0x3FB1]  }
0x2c: {  	s7 =	sld [smem:$0x3FB2]  }
0x2d: {  	s3 =	simm.s32 $0x108;
	s8 =	sld [smem:$0x3FB3]  }
0x2e: {  	s3 =	simm.s32 @!p0 $0x1082;
	s9 =	sld [smem:$0x3FB4]  }
0x2f: {  	lr =	sadd.s32 s0, s3;
	s0 =	sld [smem:$0x3FAB]  }
0x30: {  	s3 =	sld [smem:$0x3FAE]  }
0x31: {  	[smem:$0x3FB7] =	sst s10  }
0x32: {  	s10 =	sld [smem:$0x3FB5];
	_ =	sdelay $0x3  }
0x33: {  	p0 =	seq.s32 s10, $0x1;
	s10 =	sld [smem:$0x3FB7];
	_ =	sdelay $0x3  }
0x34: {  	[smem:$0x3FB7] =	sst s10  }
0x35: {  	s10 =	sld [smem:$0x3FB6];
	_ =	sdelay $0x3  }
0x36: {  	p1 =	seq.s32 s10, $0x1;
	s10 =	sld [smem:$0x3FB7];
	_ =	sdelay $0x3  }
0x37: {  	[smem:$0x3FB7] =	sst s10  }
0x38: {  	s10 =	sld [smem:$0x3FB8]  }
0x39: {  	_ = 	snop;
	(pc) =	sbr.ind lr, $3  }
0x3a: {  	_ = 	snop  }
0x3b: {  	_ = 	snop  }
0x3c: {  	p2 =	seq.s32 s10, $0x1;
	s10 =	sld [smem:$0x3FB7]  }
0x3d: {  	_ =	shalt  }
0x3e: {  	_ =	shalt  }
0x3f: {  	_ =	shalt  }
0x40: {  	_ =	shalt  }
0x41: {  	_ =	shalt  }
0x42: {  	_ =	shalt  }
0x43: {  	_ =	shalt  }
0x44: {  	_ =	shalt  }
0x45: {  	_ =	shalt  }
0x46: {  	_ =	shalt  }
0x47: {  	_ =	shalt  }
0x48: {  	_ =	shalt  }
0x49: {  	_ =	shalt  }
0x4a: {  	_ =	shalt  }
0x4b: {  	_ =	shalt  }
0x4c: {  	_ =	shalt  }
0x4d: {  	_ =	shalt  }
0x4e: {  	_ =	shalt  }
0x4f: {  	_ =	shalt  }
0x50: {  	_ =	shalt  }
0x51: {  	_ =	shalt  }
0x52: {  	_ =	shalt  }
0x53: {  	_ =	shalt  }
0x54: {  	_ =	shalt  }
0x55: {  	_ =	shalt  }
0x56: {  	_ =	shalt  }
0x57: {  	_ =	shalt  }
0x58: {  	_ =	shalt  }
0x59: {  	_ =	shalt  }
0x5a: {  	_ =	shalt  }
0x5b: {  	_ =	shalt  }
0x5c: {  	_ =	shalt  }
0x5d: {  	_ =	shalt  }
0x5e: {  	_ =	shalt  }
0x5f: {  	_ =	shalt  }
0x60: {  	_ =	shalt  }
0x61: {  	_ =	shalt  }
0x62: {  	_ =	shalt  }
0x63: {  	_ =	shalt  }
0x64: {  	_ =	shalt  }
0x65: {  	_ =	shalt  }
0x66: {  	_ =	shalt  }
0x67: {  	_ =	shalt  }
0x68: {  	_ =	shalt  }
0x69: {  	_ =	shalt  }
0x6a: {  	_ =	shalt  }
0x6b: {  	_ =	shalt  }
0x6c: {  	_ =	shalt  }
0x6d: {  	_ =	shalt  }
0x6e: {  	_ =	shalt  }
0x6f: {  	_ =	shalt  }
0x70: {  	_ =	shalt  }
0x71: {  	_ =	shalt  }
0x72: {  	_ =	shalt  }
0x73: {  	_ =	shalt  }
0x74: {  	_ =	shalt  }
0x75: {  	_ =	shalt  }
0x76: {  	_ =	shalt  }
0x77: {  	_ =	shalt  }
0x78: {  	_ =	shalt  }
0x79: {  	_ =	shalt  }
0x7a: {  	_ =	shalt  }
0x7b: {  	_ =	shalt  }
0x7c: {  	_ =	shalt  }
0x7d: {  	_ =	shalt  }
0x7e: {  	_ =	shalt  }
0x7f: {  	_ =	shalt  }
0x80: {  	_ =	shalt  }
0x81: {  	_ =	shalt  }
0x82: {  	_ =	shalt  }
0x83: {  	_ =	shalt  }
0x84: {  	_ =	shalt  }
0x85: {  	_ =	shalt  }
0x86: {  	_ =	shalt  }
0x87: {  	_ =	shalt  }
.Lfunc_end0:
.L_simem_size_0:
called_computation.1_lowered:
.L_overlay_start_0:
0x88: {  	s2 =	sld [smem:$0x3FD9]  }
0x89: {  	s3 =	sld [smem:$0x3FFE];
	_ =	sdelay $0x1  }
0x8a: {  	s1 =	srdreg.scid  }
0x8b: {  	s0 =	sand.u32 $0x1, s1  }
0x8c: {  	s17 =	sshll.u32 s0, $0xA;
	s2 =	sadd.s32 s3, s2  }
0x8d: {  	s2 =	sadd.s32 s2, s17  }
0x8e: {  	[smem:$0x3FC3] =	sst s2  }
0x8f: {  	_ = 	snop  }
0x90: {  	s2 =	sld [smem:$0x3FD0];
	(tm) =	ssettm $0x1  }
0x91: {  	s18 =	sld [smem:$0x3FFB];
	_ =	sdelay $0x3  }
0x92: {  	_ =	strace s18  }
0x93: {  	s3 =	sld [smem:$0x3FFC];
	_ =	sdelay $0x3  }
0x94: {  	_ =	strace s3  }
0x95: {  	s3 =	sld [smem:$0x3FFD];
	_ =	sdelay $0x3  }
0x96: {  	_ =	strace s3  }
0x97: {  	_ =	strace $0x8FFFFFFF  }
0x98: {  	s19 =	sld [smem:$0x3FDB];
	_ =	sdelay $0x1  }
0x99: {  	s4 =	simm.s32 $_scs_section_size  }
0x9a: {  	s5 =	simm.s32 $_size__tile_overlayer_lowered;
	s6 =	simm.s32 $_tile_overlayer_lowered  }
0x9b: {  	s22 =	simm.s32 $0x1BFF;
	s21 =	sshll.u32 s6, $0x1;
	s3 =	sadd.s32 s4, s19  }
0x9c: {  	s7 =	simm.s32 $0x0;
	s20 =	sshll.u32 s5, $0x1;
	s5 =	sadd.s32 s21, s3  }
0x9d: {  	[timem:s7], [sflag:s22] =	dma.local [hbm:s5], s20  }
0x9e: {  	_ =	swait.ge [sflag:s22], s20  }
0x9f: {  	s4 =	ssub.s32 $0x0, s20;
	[sflag:s22] =	ssyncset.done $0x0  }
0xa0: {  	[sflag:s22] =	ssyncadd.s32 s4;
	_ =	sdelay $0x1  }
0xa1: {  	s23 =	simm.s32 $0x1B8B  }
0xa2: {  	_ =	swait.ge [sflag:s23], $0x1  }
0xa3: {  	[sflag:s23] =	ssyncset.done $0x0  }
0xa4: {  	s25 =	simm.s32 $0x1B8E;
	s24 =	sld [smem:$0x3FFE];
	[sflag:s23] =	ssyncadd.s32 $0xFFFFFFFF  }
0xa5: {  	s26 =	simm.s32 $execute0_lowered;
	[smem:$0x3FD2] =	sst s25  }
0xa6: {  	s5 =	sshll.u32 s26, $0x1;
	_ =	strace $0x80000049;
	[dreg:$0x1] =	wrdreg $0xFFFFFFFF  }
0xa7: {  	s28 =	simm.s32 $_size_execute0_lowered;
	s3 =	sadd.s32 s3, s5;
	[dreg:$0x0] =	wrdreg $0x0  }
0xa8: {  	s5 =	sshll.u32 s28, $0x1;
	[dreg:$0x2] =	wrdreg s3  }
0xa9: {  	[dreg:$0x3] =	wrdreg s5  }
0xaa: {  	[dreg:$0x4] =	wrdreg $0xC0  }
0xab: {  	_ =	task [dreg:s7], $0x5FFFF  }
0xac: {  	[dreg:$0x1] =	wrdreg $0xFFFFFFFF  }
0xad: {  	[dreg:$0x0] =	wrdreg $0x60  }
0xae: {  	[dreg:$0x2] =	wrdreg s24  }
0xaf: {  	[dreg:$0x3] =	wrdreg s2  }
0xb0: {  	[dreg:$0x4] =	wrdreg $0xA8000  }
0xb1: {  	[dreg:$0x5] =	wrdreg $0x9  }
0xb2: {  	_ =	task.clear_ibuf [dreg:s7], $0x6FFFF;
	_ =	strace $0x90000049  }
0xb3: {  	s29 =	simm.s32 $0x9;
	_ =	strace $0x8000004B  }
0xb4: {  	_ =	swait.ge [sflag:s29], $0x1  }
0xb5: {  	[sflag:s29] =	ssyncadd.s32 $0xFFFFFFFF  }
0xb6: {  	_ =	strace $0x9000004B  }
0xb7: {  	_ =	sfence  }
0xb8: {  	s30 =	sld [smem:$0x0];
	_ =	sdelay $0x2  }
0xb9: {  	s31 =	sshll.u32 s1, $0xD;
	s1 =	sshrl.u32 s1, $0x2  }
0xba: {  	s3 =	sand.u32 $0x4000, s31;
	s1 =	sadd.s32 s1, s30  }
0xbb: {  	s0 =	sor.u32 s3, s0;
	s1 =	sshll.u32 s1, $0x11  }
0xbc: {  	s0 =	sor.u32 s1, s0  }
0xbd: {  	s0 =	sadd.s32 $0x8F2B, s0  }
0xbe: {  	[sflag:s0] =	ssyncadd.remote.s32 $0x1  }
0xbf: {  	_ =	sfence.sel $0xFFFF  }
0xc0: {  	[dreg:$0x0] =	wrdreg $0xFFFFFFFF;
	(pc) =	sbr.abs _section_cstart, $3  }
0xc1: {  	[dreg:$0x1] =	wrdreg $0xFFFFFFFF  }
0xc2: {  	_ =	task.clear_ibuf [dreg:s7], $0x2FFFF;
	_ =	strace $0x9FFFFFFF  }
0xc3: {  	(tm) =	ssettm $0x7FFFFFFF  }
tec
execute0_lowered:
.L_overlay_start_1:
0x0: {  	(tag) =	ssettag $0x1  }
0x1: {  	s5 =	rddreg [dreg:$0x0]  }
0x2: {  	s14 =	rddreg [dreg:$0x1]  }
0x3: {  	s2 =	rddreg [dreg:$0x2]  }
0x4: {  	s0 =	srdreg.scid;
	s1 =	rddreg [dreg:$0x3];
	s3 =	simm.s32 $0x0  }
0x5: {  	s17 =	simm.s32 $0x3;
	s18 =	simm.s32 $0x1400;
	s19 =	simm.s32 $0x80  }
0x6: {  	s20 =	simm.s32 $0x1;
	s21 =	simm.s32 $0x6800;
	s22 =	simm.s32 $0x2  }
0x7: {  	s23 =	simm.s32 $0x1380;
	s24 =	simm.s32 $0x2700;
	s6 =	sand.u32 $0x1, s0  }
0x8: {  	s25 =	simm.s32 $0x2780;
	s0 =	stileid.u32;
	s4 =	smul.u32 $0x140000, s6  }
0x9: {  	[smem:$0x7FF] =	sst s3;
	s15 =	sadd.s32 $0x1C00, s5;
	s7 =	smul.u32 $0x14000, s0  }
0xa: {  	s8 =	smul.u32 $0x50000, s0;
	s28 =	ssub.s32 $0x2, s6;
	s29 =	sshll.u32 s6, $0x4  }
0xb: {  	_ =	strace $0x8000004A;
	s31 =	sshrl.u32 s28, $0x1;
	s9 =	sor.u32 s0, s29  }
0xc: {  	s4 =	sadd.s32 s7, s4;
	s30 =	sshrl.u32 s8, $0x2;
	s11 =	ssub.s32 s28, s31  }
0xd: {  	s12 =	smul.u32 $0x2800, s9;
	s7 =	sshrl.u32 s4, $0x3;
	s4 =	sadd.s32 $0xBC00, s5  }
0xe: {  	s11 =	smax.u32 s11, $0x1;
	s10 =	sadd.s32 s7, s5;
	s5 =	sadd.s32 s30, s2  }
0xf: {  	s16 =	sshrl.u32 s12, $0x3;
	s6 =	sadd.s32 $0x4000, s5;
	s7 =	sadd.s32 $0x8000, s5  }
0x10: {  	s8 =	sadd.s32 $0xC000, s5;
	s9 =	sadd.s32 $0x10000, s5;
	s10 =	sadd.s32 $0x33C00, s10  }
0x11: {  	s12 =	sadd.s32 s14, s16;
	s13 =	sadd.s32 s15, s16;
	s16 =	sadd.s32 $0x280, s16  }
0x12: {  	v0 =	vimm.f32 $0.0e+00;
	s14 =	sadd.s32 s14, s16;
	s15 =	sadd.s32 s15, s16;
	s16 =	simm.s32 $0x2800  }
.LBB2_1:
0x13: {  	s26 =	simm.s32 $0x0;
	s28 =	simm.s32 $0x200  }
.LBB2_2:
0x14: {  	p0 =	sne.s32 s28, $0xFE00;
	[tilespmem:s26+$0x2870] =	vst v0  }
0x15: {  	[tilespmem:s26+$0x2800] =	vst v0  }
0x16: {  	[tilespmem:s26+$0x2810] =	vst v0  }
.Ltmp0:
0x17: {  	[tilespmem:s26+$0x2820] =	vst v0;
	(pc) =	sbr.rel @p0 .LBB2_2-.Ltmp0, $4  }
0x18: {  	[tilespmem:s26+$0x2830] =	vst v0  }
0x19: {  	[tilespmem:s26+$0x2840] =	vst v0  }
0x1a: {  	[tilespmem:s26+$0x2850] =	vst v0  }
0x1b: {  	[tilespmem:s26+$0x2860] =	vst v0;
	s26 =	sshra.s32 s28, $0x2;
	s28 =	sadd.s32 $0x200, s28  }
0x1c: {  	[tilespmem:s26+$0x2870] =	vst v0  }
0x1d: {  	[tilespmem:s26+$0x2800] =	vst v0  }
0x1e: {  	[tilespmem:s26+$0x2810] =	vst v0  }
0x1f: {  	[tilespmem:s26+$0x2820] =	vst v0  }
0x20: {  	[tilespmem:s26+$0x2830] =	vst v0  }
0x21: {  	[tilespmem:s26+$0x2840] =	vst v0  }
0x22: {  	[tilespmem:s26+$0x2850] =	vst v0  }
0x23: {  	[tilespmem:s26+$0x2860] =	vst v0  }
0x24: {  	[spmem:s5] =	stream.linear.scatter [tilespmem:s16], [sflag:$0x3], $0x4000, $0x38;
	[tilespmem:$0x1E800] =	vst v63  }
0x25: {  	_ =	swait.ge [sflag:s17], $0x4000  }
0x26: {  	[sflag:s17] =	ssyncset.done $0x0  }
0x27: {  	[sflag:s17] =	ssyncadd.s32 $0xFFFFC000  }
0x28: {  	[spmem:s6] =	stream.linear.scatter [tilespmem:s16], [sflag:$0x3], $0x4000, $0x38;
	[tilespmem:$0x1E800] =	vst v63  }
0x29: {  	_ =	swait.ge [sflag:s17], $0x4000  }
0x2a: {  	[sflag:s17] =	ssyncset.done $0x0  }
0x2b: {  	[sflag:s17] =	ssyncadd.s32 $0xFFFFC000  }
0x2c: {  	[spmem:s7] =	stream.linear.scatter [tilespmem:s16], [sflag:$0x3], $0x4000, $0x38;
	[tilespmem:$0x1E800] =	vst v63  }
0x2d: {  	_ =	swait.ge [sflag:s17], $0x4000  }
0x2e: {  	[sflag:s17] =	ssyncset.done $0x0  }
0x2f: {  	[sflag:s17] =	ssyncadd.s32 $0xFFFFC000  }
0x30: {  	[spmem:s8] =	stream.linear.scatter [tilespmem:s16], [sflag:$0x3], $0x4000, $0x38;
	[tilespmem:$0x1E800] =	vst v63  }
0x31: {  	_ =	swait.ge [sflag:s17], $0x4000  }
0x32: {  	[sflag:s17] =	ssyncset.done $0x0  }
0x33: {  	[sflag:s17] =	ssyncadd.s32 $0xFFFFC000  }
0x34: {  	[spmem:s9] =	stream.linear.scatter [tilespmem:s16], [sflag:$0x3], $0x4000, $0x38;
	[tilespmem:$0x1E800] =	vst v63  }
0x35: {  	_ =	swait.ge [sflag:s17], $0x4000  }
0x36: {  	[sflag:s17] =	ssyncset.done $0x0  }
0x37: {  	[sflag:s17] =	ssyncadd.s32 $0xFFFFC000  }
0x38: {  	s31 =	simm.s32 $0x0;
	[bflag:$0x0] =	sbarrier.arrive $0xFFFF  }
0x39: {  	[tilespmem:s31], [sflag:$0x3] =	stream.linear.gather [hbm4b:s12+s31], $0x1400, $0x38;
	[tilespmem:$0x1E800] =	vst v63  }
0x3a: {  	_ =	swait.ge [sflag:s17], $0x1400  }
0x3b: {  	[sflag:s17] =	ssyncset.done $0x0  }
0x3c: {  	[sflag:s17] =	ssyncadd.s32 $0xFFFFEC00  }
0x3d: {  	[tilespmem:s18], [sflag:$0x3] =	stream.linear.gather [hbm4b:s13+s31], $0x1400, $0x38;
	[tilespmem:$0x1E800] =	vst v63  }
0x3e: {  	_ =	swait.ge [sflag:s17], $0x1400  }
0x3f: {  	[sflag:s17] =	ssyncset.done $0x0  }
0x40: {  	[sflag:s17] =	ssyncadd.s32 $0xFFFFEC00  }
0x41: {  	[tilespmem:s16], [sflag:$0x1] =	stream.indirect.gather [hbm4b:s4+s19], $0x80, s31, s19, $0xb8;
	[tilespmem:$0x1E800] =	vst v63  }
0x42: {  	_ =	swait.ge [sflag:s20], $0x4000  }
0x43: {  	[sflag:s20] =	ssyncset.done $0x0  }
0x44: {  	s28 =	simm.s32 $0x80;
	[sflag:s20] =	ssyncadd.s32 $0xFFFFC000  }
0x45: {  	[tilespmem:s21], [sflag:$0x2] =	stream.indirect.gather [hbm4b:s4+s19], $0x80, s28, s19, $0xb8;
	[tilespmem:$0x1E800] =	vst v63  }
0x46: {  	s29 =	simm.s32 $0x1400  }
0x47: {  	[spmem:s2] =	stream.indirect.scatter.add.f32 [tilespmem:s16], [sflag:$0x3], $0x80, s29, s19, $0xb8;
	[tilespmem:$0x1E800] =	vst v63  }
0x48: {  	_ =	swait.ge [sflag:s17], $0x4000  }
0x49: {  	[sflag:s17] =	ssyncset.done $0x0  }
0x4a: {  	[sflag:s17] =	ssyncadd.s32 $0xFFFFC000  }
0x4b: {  	_ =	swait.ge [sflag:s22], $0x4000  }
0x4c: {  	[sflag:s22] =	ssyncset.done $0x0  }
0x4d: {  	s30 =	simm.s32 $0x100;
	[sflag:s22] =	ssyncadd.s32 $0xFFFFC000  }
0x4e: {  	[tilespmem:s16], [sflag:$0x1] =	stream.indirect.gather [hbm4b:s4+s19], $0x80, s30, s19, $0xb8;
	[tilespmem:$0x1E800] =	vst v63  }
0x4f: {  	s31 =	simm.s32 $0x1480  }
0x50: {  	[spmem:s2] =	stream.indirect.scatter.add.f32 [tilespmem:s21], [sflag:$0x3], $0x80, s31, s19, $0xb8;
	[tilespmem:$0x1E800] =	vst v63  }
0x51: {  	_ =	swait.ge [sflag:s17], $0x4000  }
0x52: {  	s26 =	simm.s32 $0x400;
	[sflag:s17] =	ssyncset.done $0x0  }
.LBB2_4:
0x53: {  	p0 =	sne.s32 s26, $0x4800  }
0x54: {  	[sflag:s17] =	ssyncadd.s32 $0xFFFFC000;
	s28 =	smov.u32 s26;
	s26 =	sadd.s32 $0x400, s26  }
0x55: {  	_ = 	snop  }
0x56: {  	_ =	swait.ge [sflag:s20], $0x4000  }
0x57: {  	s28 =	sshra.s32 s28, $0x2;
	[sflag:s20] =	ssyncset.done $0x0  }
0x58: {  	s29 =	sadd.s32 $0x80, s28;
	[sflag:s20] =	ssyncadd.s32 $0xFFFFC000  }
0x59: {  	[tilespmem:s21], [sflag:$0x2] =	stream.indirect.gather [hbm4b:s4+s19], $0x80, s29, s19, $0xb8;
	[tilespmem:$0x1E800] =	vst v63  }
0x5a: {  	s29 =	sadd.s32 $0x1400, s28  }
0x5b: {  	[spmem:s2] =	stream.indirect.scatter.add.f32 [tilespmem:s16], [sflag:$0x3], $0x80, s29, s19, $0xb8;
	[tilespmem:$0x1E800] =	vst v63  }
0x5c: {  	_ =	swait.ge [sflag:s17], $0x4000  }
0x5d: {  	[sflag:s17] =	ssyncset.done $0x0  }
0x5e: {  	[sflag:s17] =	ssyncadd.s32 $0xFFFFC000  }
0x5f: {  	_ =	swait.ge [sflag:s22], $0x4000  }
0x60: {  	[sflag:s22] =	ssyncset.done $0x0  }
0x61: {  	s29 =	sadd.s32 $0x100, s28;
	[sflag:s22] =	ssyncadd.s32 $0xFFFFC000  }
0x62: {  	[tilespmem:s16], [sflag:$0x1] =	stream.indirect.gather [hbm4b:s4+s19], $0x80, s29, s19, $0xb8;
	[tilespmem:$0x1E800] =	vst v63  }
.Ltmp1:
0x63: {  	_ = 	snop;
	(pc) =	sbr.rel @p0 .LBB2_4-.Ltmp1, $4  }
0x64: {  	s28 =	sadd.s32 $0x1480, s28  }
0x65: {  	[spmem:s2] =	stream.indirect.scatter.add.f32 [tilespmem:s21], [sflag:$0x3], $0x80, s28, s19, $0xb8;
	[tilespmem:$0x1E800] =	vst v63  }
0x66: {  	_ =	swait.ge [sflag:s17], $0x4000  }
0x67: {  	[sflag:s17] =	ssyncset.done $0x0  }
0x68: {  	[sflag:s17] =	ssyncadd.s32 $0xFFFFC000  }
0x69: {  	_ =	swait.ge [sflag:s20], $0x4000  }
0x6a: {  	[sflag:s20] =	ssyncset.done $0x0  }
0x6b: {  	[sflag:s20] =	ssyncadd.s32 $0xFFFFC000  }
0x6c: {  	[tilespmem:s21], [sflag:$0x2] =	stream.indirect.gather [hbm4b:s4+s19], $0x80, s23, s19, $0xb8;
	[tilespmem:$0x1E800] =	vst v63  }
0x6d: {  	_ = 	snop  }
0x6e: {  	[spmem:s2] =	stream.indirect.scatter.add.f32 [tilespmem:s16], [sflag:$0x3], $0x80, s24, s19, $0xb8;
	[tilespmem:$0x1E800] =	vst v63  }
0x6f: {  	_ =	swait.ge [sflag:s17], $0x4000  }
0x70: {  	[sflag:s17] =	ssyncset.done $0x0  }
0x71: {  	[sflag:s17] =	ssyncadd.s32 $0xFFFFC000  }
0x72: {  	_ =	swait.ge [sflag:s22], $0x4000  }
0x73: {  	[sflag:s22] =	ssyncset.done $0x0  }
0x74: {  	[sflag:s22] =	ssyncadd.s32 $0xFFFFC000  }
0x75: {  	[spmem:s2] =	stream.indirect.scatter.add.f32 [tilespmem:s21], [sflag:$0x3], $0x80, s25, s19, $0xb8;
	[tilespmem:$0x1E800] =	vst v63  }
0x76: {  	_ =	swait.ge [sflag:s17], $0x4000  }
0x77: {  	[sflag:s17] =	ssyncset.done $0x0  }
0x78: {  	s26 =	simm.s32 $0x0;
	[sflag:s17] =	ssyncadd.s32 $0xFFFFC000  }
0x79: {  	[tilespmem:s26], [sflag:$0x3] =	stream.linear.gather [hbm4b:s14+s26], $0x1400, $0x38;
	[tilespmem:$0x1E800] =	vst v63  }
0x7a: {  	_ =	swait.ge [sflag:s17], $0x1400  }
0x7b: {  	[sflag:s17] =	ssyncset.done $0x0  }
0x7c: {  	[sflag:s17] =	ssyncadd.s32 $0xFFFFEC00  }
0x7d: {  	[tilespmem:s18], [sflag:$0x3] =	stream.linear.gather [hbm4b:s15+s26], $0x1400, $0x38;
	[tilespmem:$0x1E800] =	vst v63  }
0x7e: {  	_ =	swait.ge [sflag:s17], $0x1400  }
0x7f: {  	[sflag:s17] =	ssyncset.done $0x0  }
0x80: {  	[sflag:s17] =	ssyncadd.s32 $0xFFFFEC00  }
0x81: {  	[tilespmem:s16], [sflag:$0x1] =	stream.indirect.gather [hbm4b:s4+s19], $0x80, s26, s19, $0xb8;
	[tilespmem:$0x1E800] =	vst v63  }
0x82: {  	_ =	swait.ge [sflag:s20], $0x4000  }
0x83: {  	[sflag:s20] =	ssyncset.done $0x0  }
0x84: {  	s28 =	simm.s32 $0x80;
	[sflag:s20] =	ssyncadd.s32 $0xFFFFC000  }
0x85: {  	[tilespmem:s21], [sflag:$0x2] =	stream.indirect.gather [hbm4b:s4+s19], $0x80, s28, s19, $0xb8;
	[tilespmem:$0x1E800] =	vst v63  }
0x86: {  	s29 =	simm.s32 $0x1400  }
0x87: {  	[spmem:s2] =	stream.indirect.scatter.add.f32 [tilespmem:s16], [sflag:$0x3], $0x80, s29, s19, $0xb8;
	[tilespmem:$0x1E800] =	vst v63  }
0x88: {  	_ =	swait.ge [sflag:s17], $0x4000  }
0x89: {  	[sflag:s17] =	ssyncset.done $0x0  }
0x8a: {  	[sflag:s17] =	ssyncadd.s32 $0xFFFFC000  }
0x8b: {  	_ =	swait.ge [sflag:s22], $0x4000  }
0x8c: {  	[sflag:s22] =	ssyncset.done $0x0  }
0x8d: {  	s30 =	simm.s32 $0x100;
	[sflag:s22] =	ssyncadd.s32 $0xFFFFC000  }
0x8e: {  	[tilespmem:s16], [sflag:$0x1] =	stream.indirect.gather [hbm4b:s4+s19], $0x80, s30, s19, $0xb8;
	[tilespmem:$0x1E800] =	vst v63  }
0x8f: {  	s31 =	simm.s32 $0x1480  }
0x90: {  	[spmem:s2] =	stream.indirect.scatter.add.f32 [tilespmem:s21], [sflag:$0x3], $0x80, s31, s19, $0xb8;
	[tilespmem:$0x1E800] =	vst v63  }
0x91: {  	_ =	swait.ge [sflag:s17], $0x4000  }
0x92: {  	s26 =	simm.s32 $0x400;
	[sflag:s17] =	ssyncset.done $0x0  }
.LBB2_6:
0x93: {  	p0 =	sne.s32 s26, $0x4800  }
0x94: {  	[sflag:s17] =	ssyncadd.s32 $0xFFFFC000;
	s28 =	smov.u32 s26;
	s26 =	sadd.s32 $0x400, s26  }
0x95: {  	_ = 	snop  }
0x96: {  	_ =	swait.ge [sflag:s20], $0x4000  }
0x97: {  	s28 =	sshra.s32 s28, $0x2;
	[sflag:s20] =	ssyncset.done $0x0  }
0x98: {  	s29 =	sadd.s32 $0x80, s28;
	[sflag:s20] =	ssyncadd.s32 $0xFFFFC000  }
0x99: {  	[tilespmem:s21], [sflag:$0x2] =	stream.indirect.gather [hbm4b:s4+s19], $0x80, s29, s19, $0xb8;
	[tilespmem:$0x1E800] =	vst v63  }
0x9a: {  	s29 =	sadd.s32 $0x1400, s28  }
0x9b: {  	[spmem:s2] =	stream.indirect.scatter.add.f32 [tilespmem:s16], [sflag:$0x3], $0x80, s29, s19, $0xb8;
	[tilespmem:$0x1E800] =	vst v63  }
0x9c: {  	_ =	swait.ge [sflag:s17], $0x4000  }
0x9d: {  	[sflag:s17] =	ssyncset.done $0x0  }
0x9e: {  	[sflag:s17] =	ssyncadd.s32 $0xFFFFC000  }
0x9f: {  	_ =	swait.ge [sflag:s22], $0x4000  }
0xa0: {  	[sflag:s22] =	ssyncset.done $0x0  }
0xa1: {  	s29 =	sadd.s32 $0x100, s28;
	[sflag:s22] =	ssyncadd.s32 $0xFFFFC000  }
0xa2: {  	[tilespmem:s16], [sflag:$0x1] =	stream.indirect.gather [hbm4b:s4+s19], $0x80, s29, s19, $0xb8;
	[tilespmem:$0x1E800] =	vst v63  }
.Ltmp2:
0xa3: {  	_ = 	snop;
	(pc) =	sbr.rel @p0 .LBB2_6-.Ltmp2, $4  }
0xa4: {  	s28 =	sadd.s32 $0x1480, s28  }
0xa5: {  	[spmem:s2] =	stream.indirect.scatter.add.f32 [tilespmem:s21], [sflag:$0x3], $0x80, s28, s19, $0xb8;
	[tilespmem:$0x1E800] =	vst v63  }
0xa6: {  	_ =	swait.ge [sflag:s17], $0x4000  }
0xa7: {  	[sflag:s17] =	ssyncset.done $0x0  }
0xa8: {  	[sflag:s17] =	ssyncadd.s32 $0xFFFFC000  }
0xa9: {  	_ =	swait.ge [sflag:s20], $0x4000  }
0xaa: {  	[sflag:s20] =	ssyncset.done $0x0  }
0xab: {  	[sflag:s20] =	ssyncadd.s32 $0xFFFFC000  }
0xac: {  	[tilespmem:s21], [sflag:$0x2] =	stream.indirect.gather [hbm4b:s4+s19], $0x80, s23, s19, $0xb8;
	[tilespmem:$0x1E800] =	vst v63  }
0xad: {  	_ = 	snop  }
0xae: {  	[spmem:s2] =	stream.indirect.scatter.add.f32 [tilespmem:s16], [sflag:$0x3], $0x80, s24, s19, $0xb8;
	[tilespmem:$0x1E800] =	vst v63  }
0xaf: {  	_ =	swait.ge [sflag:s17], $0x4000  }
0xb0: {  	[sflag:s17] =	ssyncset.done $0x0  }
0xb1: {  	[sflag:s17] =	ssyncadd.s32 $0xFFFFC000  }
0xb2: {  	_ =	swait.ge [sflag:s22], $0x4000  }
0xb3: {  	[sflag:s22] =	ssyncset.done $0x0  }
0xb4: {  	[sflag:s22] =	ssyncadd.s32 $0xFFFFC000  }
0xb5: {  	[spmem:s2] =	stream.indirect.scatter.add.f32 [tilespmem:s21], [sflag:$0x3], $0x80, s25, s19, $0xb8;
	[tilespmem:$0x1E800] =	vst v63  }
0xb6: {  	_ =	swait.ge [sflag:s17], $0x4000  }
0xb7: {  	s26 =	sshll.u32 s0, $0x6;
	s3 =	sadd.s32 $0x1, s3;
	[sflag:s17] =	ssyncset.done $0x0  }
0xb8: {  	s28 =	sshrl.u32 s5, $0x3;
	p0 =	sne.s32 s3, s11;
	[sflag:s17] =	ssyncadd.s32 $0xFFFFC000  }
.Ltmp3:
0xb9: {  	s26 =	sor.u32 $0x1C03, s26;
	[bflag:$0x0] =	sbarrier.arrive $0xFFFF;
	(pc) =	sbr.rel @p0 .LBB2_1-.Ltmp3, $4  }
0xba: {  	[hbm:s10], [sflag:s26] =	dma.local [spmem:s28], $0x2800  }
0xbb: {  	_ =	swait.ge [sflag:s17], $0x2800  }
0xbc: {  	[sflag:s17] =	ssyncset.done $0x0  }
0xbd: {  	[sflag:s17] =	ssyncadd.s32 $0xFFFFD800  }
0xbe: {  	_ =	sfence.sel $0x180000  }
0xbf: {  	[bflag:$0x0] =	sbarrier.arrive $0xFFFF  }
0xc0: {  	p0 =	sne.s32 s0, $0x0;
	_ =	strace $0x9000004A  }
0xc1: {  	s0 =	sadd.s32 @!p0 $0x100000, s1;
	[bflag:$0x2] =	sbarrier.arrive $0xFFFF  }
0xc2: {  	[sflag:s0] =	ssyncadd.tile.s32 @!p0 $0x1;
	_ =	shalt  }
.Lfunc_end2:
_tile_overlayer_lowered:
.L_overlay_start_2:
0xc3: {  	(tag) =	ssettag $0x2  }
0xc4: {  	s0 =	rddreg [dreg:$0x0];
	s2 =	stileid.u32  }
0xc5: {  	s1 =	rddreg [dreg:$0x1];
	p0 =	sne.s32 s2, $0x0  }
0xc6: {  	s3 =	rddreg [dreg:$0x2];
	[bflag:$0x3] =	sbarrier.arrive $0xFFFF;
	s2 =	simm.s32 @!p0 $0x1C03  }
0xc7: {  	[timem:s3], [sflag:s2] =	dma.local @!p0 [hbm:s0], s1  }
0xc8: {  	s0 =	simm.s32 @!p0 $0x3  }
0xc9: {  	_ =	swait.ge @!p0 [sflag:s0], s1  }
0xca: {  	s1 =	ssub.s32 @!p0 $0x0, s1;
	[sflag:s0] =	ssyncset.done @!p0 $0x0  }
0xcb: {  	[sflag:s0] =	ssyncadd.s32 @!p0 s1  }
0xcc: {  	[bflag:$0x3] =	sbarrier.arrive $0xFFFF  }
0xcd: {  	_ =	shalt  }

</sc_bundles>
